<compile_context>
chip_gen: v7x
topology: tpu7x:2x2x1
jax: 0.10.2.dev20260603
libtpu: 0.0.44.dev20260713+nightly
codegen_flags: <defaults>
</compile_context>

<pallas_src>
import functools

import jax
import jax.numpy as jnp
from jax import lax
from jax.experimental import pallas as pl
from jax.experimental.pallas import tpu as pltpu
from jax.experimental.pallas import tpu_sc as plsc

NC = 2
NS = 16
NW = NC * NS
LANES = 16

_MESH = dict(core_axis_name="c", subcore_axis_name="s", num_cores=NC,
             num_subcores=NS)


def _ceil_to(x, m):
  return (x + m - 1) // m * m


def _make_deg_kernel(E, NPAD, KD):
  ET = E // NW
  n_chunks = ET // KD
  TPN = NPAD // NS

  mesh = plsc.VectorSubcoreMesh(**_MESH)

  @functools.partial(
      pl.kernel, mesh=mesh,
      out_type=jax.ShapeDtypeStruct((NC * NPAD,), jnp.float32),
      scratch_types=[
          pltpu.VMEM((KD,), jnp.int32),
          pltpu.VMEM((KD,), jnp.float32),
          pltpu.VMEM_SHARED((NPAD,), jnp.float32),
      ],
      name="sc_gcn_degree",
  )
  def deg_kernel(dst_hbm, zeros_hbm, out_hbm, dstb, onesb, acc):
    c = lax.axis_index("c")
    s = lax.axis_index("s")
    def fill(j, _):
      onesb[pl.ds(j * LANES, LANES)] = jnp.full((LANES,), 1.0, jnp.float32)
      return _
    lax.fori_loop(0, KD // LANES, fill, None)
    pltpu.sync_copy(zeros_hbm.at[pl.ds(s * TPN, TPN)],
                    acc.at[pl.ds(s * TPN, TPN)])
    plsc.subcore_barrier()
    wid = c * NS + s
    def chunk(i, _):
      off = wid * ET + i * KD
      pltpu.sync_copy(dst_hbm.at[pl.ds(off, KD)], dstb)
      pltpu.sync_copy(onesb, acc.at[dstb], add=True)
      return _
    lax.fori_loop(0, n_chunks, chunk, None)
    plsc.subcore_barrier()
    pltpu.sync_copy(acc.at[pl.ds(s * TPN, TPN)],
                    out_hbm.at[pl.ds(c * NPAD + s * TPN, TPN)])

  return deg_kernel


def _tc_prep_body(degp0_ref, degp1_ref, x_ref, w1_ref, hs_ref, dinv_ref):
  deg = degp0_ref[...] + degp1_ref[...] + 1.0
  dinv = lax.rsqrt(deg)
  h = jnp.dot(x_ref[...], w1_ref[...], preferred_element_type=jnp.float32)
  hs_ref[...] = h * dinv
  dinv_ref[...] = dinv


def _tc_prep(degp0, degp1, x, W1, N, C):
  BR = 1000
  grid = N // BR
  return pl.pallas_call(
      _tc_prep_body,
      grid=(grid,),
      in_specs=[
          pl.BlockSpec((BR, 1), lambda i: (i, 0)),
          pl.BlockSpec((BR, 1), lambda i: (i, 0)),
          pl.BlockSpec((BR, C), lambda i: (i, 0)),
          pl.BlockSpec((C, C), lambda i: (0, 0)),
      ],
      out_specs=[
          pl.BlockSpec((BR, C), lambda i: (i, 0)),
          pl.BlockSpec((BR, 1), lambda i: (i, 0)),
      ],
      out_shape=[
          jax.ShapeDtypeStruct((N, C), jnp.float32),
          jax.ShapeDtypeStruct((N, 1), jnp.float32),
      ],
      name="tc_gcn_prep",
  )(degp0, degp1, x, W1)


def _make_agg_kernel(E, NPAD, C, K):
  ET = E // NW
  n_chunks = ET // K
  TPN = NPAD // NS

  mesh = plsc.VectorSubcoreMesh(**_MESH)

  @functools.partial(
      pl.kernel, mesh=mesh,
      out_type=jax.ShapeDtypeStruct((NC * NPAD, C), jnp.float32),
      scratch_types=[
          pltpu.VMEM((K,), jnp.int32),
          pltpu.VMEM((K,), jnp.int32),
          pltpu.VMEM((K, C), jnp.float32),
          pltpu.VMEM_SHARED((NPAD, C), jnp.float32),
          pltpu.SemaphoreType.DMA,
      ],
      name="sc_gcn_edge_agg",
  )
  def agg_kernel(src_hbm, dst_hbm, hs_hbm, zeros_hbm, out_hbm,
                 srcb, dstb, rows, acc, sem):
    c = lax.axis_index("c")
    s = lax.axis_index("s")
    pltpu.sync_copy(zeros_hbm.at[pl.ds(s * TPN, TPN)],
                    acc.at[pl.ds(s * TPN, TPN)])
    plsc.subcore_barrier()
    wid = c * NS + s
    def chunk(i, _):
      off = wid * ET + i * K
      pltpu.sync_copy(src_hbm.at[pl.ds(off, K)], srcb)
      pltpu.sync_copy(dst_hbm.at[pl.ds(off, K)], dstb)
      pltpu.async_copy(hs_hbm.at[srcb], rows, sem).wait()
      pltpu.sync_copy(rows, acc.at[dstb], add=True)
      return _
    lax.fori_loop(0, n_chunks, chunk, None)
    plsc.subcore_barrier()
    pltpu.sync_copy(acc.at[pl.ds(s * TPN, TPN)],
                    out_hbm.at[pl.ds(c * NPAD + s * TPN, TPN)])

  return agg_kernel


def _tc_mid_body(p0_ref, p1_ref, hs_ref, dinv_ref, b1_ref, w2_ref, ys_ref):
  dinv = dinv_ref[...]
  z = dinv * (p0_ref[...] + p1_ref[...] + hs_ref[...]) + b1_ref[...]
  z = jnp.maximum(z, 0.0)
  y = jnp.dot(z, w2_ref[...], preferred_element_type=jnp.float32)
  ys_ref[...] = y * dinv


def _tc_mid(p0, p1, hs, dinv, b1, W2, N, C):
  BR = 1000
  grid = N // BR
  return pl.pallas_call(
      _tc_mid_body,
      grid=(grid,),
      in_specs=[
          pl.BlockSpec((BR, C), lambda i: (i, 0)),
          pl.BlockSpec((BR, C), lambda i: (i, 0)),
          pl.BlockSpec((BR, C), lambda i: (i, 0)),
          pl.BlockSpec((BR, 1), lambda i: (i, 0)),
          pl.BlockSpec((1, C), lambda i: (0, 0)),
          pl.BlockSpec((C, 1), lambda i: (0, 0)),
      ],
      out_specs=pl.BlockSpec((BR, 1), lambda i: (i, 0)),
      out_shape=jax.ShapeDtypeStruct((N, 1), jnp.float32),
      name="tc_gcn_mid",
  )(p0, p1, hs, dinv, b1, W2)


def _make_agg2_kernel(E, NPAD, K2):
  ET = E // NS
  n_chunks = ET // K2
  TPN = NPAD // NS

  mesh = plsc.VectorSubcoreMesh(**_MESH)

  @functools.partial(
      pl.kernel, mesh=mesh,
      out_type=jax.ShapeDtypeStruct((NPAD,), jnp.float32),
      scratch_types=[
          pltpu.VMEM((K2,), jnp.int32),
          pltpu.VMEM((K2,), jnp.int32),
          pltpu.VMEM((K2,), jnp.float32),
          pltpu.VMEM((TPN,), jnp.float32),
          pltpu.VMEM((TPN,), jnp.float32),
          pltpu.VMEM((TPN,), jnp.float32),
          pltpu.VMEM((16,), jnp.float32),
          pltpu.VMEM_SHARED((NPAD,), jnp.float32),
          pltpu.SemaphoreType.DMA,
      ],
      name="sc_gcn_scalar_agg",
  )
  def agg2_kernel(src_hbm, dst_hbm, ys_hbm, dinv_hbm, b2_hbm, zeros_hbm,
                  out_hbm, srcb, dstb, vals, ybuf, dbuf, obuf, b2b, acc, sem):
    c = lax.axis_index("c")
    s = lax.axis_index("s")

    @pl.when(c == 0)
    def _core0():
      pltpu.sync_copy(zeros_hbm.at[pl.ds(s * TPN, TPN)],
                      acc.at[pl.ds(s * TPN, TPN)])
      plsc.subcore_barrier()

      def chunk(i, _):
        off = s * ET + i * K2
        pltpu.sync_copy(src_hbm.at[pl.ds(off, K2)], srcb)
        pltpu.sync_copy(dst_hbm.at[pl.ds(off, K2)], dstb)
        pltpu.async_copy(ys_hbm.at[srcb], vals, sem).wait()
        pltpu.sync_copy(vals, acc.at[dstb], add=True)
        return _
      lax.fori_loop(0, n_chunks, chunk, None)
      plsc.subcore_barrier()

      pltpu.sync_copy(acc.at[pl.ds(s * TPN, TPN)], obuf)
      pltpu.sync_copy(ys_hbm.at[pl.ds(s * TPN, TPN)], ybuf)
      pltpu.sync_copy(dinv_hbm.at[pl.ds(s * TPN, TPN)], dbuf)
      pltpu.sync_copy(b2_hbm, b2b)
      def fin(j, _):
        sl = pl.ds(j * LANES, LANES)
        a = obuf[sl] + ybuf[sl]
        obuf[sl] = a * dbuf[sl] + b2b[...]
        return _
      lax.fori_loop(0, TPN // LANES, fin, None)
      pltpu.sync_copy(obuf, out_hbm.at[pl.ds(s * TPN, TPN)])

  return agg2_kernel


def kernel(x, edge_index, W1, b1, W2, b2):
  N, C = x.shape
  E = edge_index.shape[1]
  NPAD = _ceil_to(N, NS * LANES)

  KD = 2000
  K = 200
  K2 = 2000

  EPAD = _ceil_to(E, NW * KD)
  EPAD = _ceil_to(EPAD, NW * K)
  EPAD = _ceil_to(EPAD, NS * K2)

  ei = edge_index.astype(jnp.int32)
  src = ei[0]
  dst = ei[1]
  if EPAD != E:
    src = jnp.pad(src, (0, EPAD - E))
    dst = jnp.pad(dst, (0, EPAD - E), constant_values=NPAD - 1)

  zeros_row = jnp.zeros((NPAD,), jnp.float32)
  zeros_mat = jnp.zeros((NPAD, C), jnp.float32)

  degp = _make_deg_kernel(EPAD, NPAD, KD)(dst, zeros_row)
  degp = degp.reshape(NC, NPAD)
  degp0 = degp[0, :N].reshape(N, 1)
  degp1 = degp[1, :N].reshape(N, 1)

  hs, dinv = _tc_prep(degp0, degp1, x, W1, N, C)

  parts = _make_agg_kernel(EPAD, NPAD, C, K)(src, dst, hs, zeros_mat)
  parts = parts.reshape(NC, NPAD, C)
  p0 = parts[0, :N, :]
  p1 = parts[1, :N, :]

  ys = _tc_mid(p0, p1, hs, dinv, b1.reshape(1, C), W2, N, C)

  ys_pad = jnp.pad(ys[:, 0], (0, NPAD - N))
  dinv_pad = jnp.pad(dinv[:, 0], (0, NPAD - N))
  b2_b = jnp.broadcast_to(b2.astype(jnp.float32), (16,))

  out = _make_agg2_kernel(EPAD, NPAD, K2)(src, dst, ys_pad, dinv_pad, b2_b,
                                          zeros_row)
  return out[:N]

# --- scband reference (transcript-rebuilt; emitter-appended) ---
"""Pipeline reference for scband-gcn-91096256348387 (READ-ONLY COPY).

The authoritative reference and input builder live on the scoring server;
editing this copy changes nothing except your own understanding.
"""

import jax, jax.numpy as jnp
import numpy as np

N_NODES = 10000


def gcn_conv(x, edge_index, W, b):
    # x: [N, C_in], edge_index: [2, E], W: [C_in, C_out], b: [C_out]
    h = x @ W
    src = edge_index[0]
    dst = edge_index[1]
    # add self loops (GCNConv default)
    loop = jnp.arange(N_NODES, dtype=edge_index.dtype)
    src = jnp.concatenate([src, loop])
    dst = jnp.concatenate([dst, loop])
    # symmetric normalization D^{-1/2} A_hat D^{-1/2}
    deg = jnp.zeros((N_NODES,), dtype=h.dtype).at[dst].add(1.0)
    deg_inv_sqrt = jnp.where(deg > 0, deg ** -0.5, 0.0)
    norm = deg_inv_sqrt[src] * deg_inv_sqrt[dst]
    msg = h[src] * norm[:, None]
    out = jnp.zeros((N_NODES, h.shape[1]), dtype=h.dtype).at[dst].add(msg)
    return out + b


def setup_inputs(seed: int = 0) -> dict:
    key = jax.random.key(seed)
    k1, k2, k3, k4, k5 = jax.random.split(key, 5)
    in_channels = 128
    hidden_channels = 128
    x = jax.random.normal(k1, (N_NODES, in_channels), dtype=jnp.float32)
    edge_index = jax.random.randint(k2, (2, 320000), 0, N_NODES, dtype=jnp.int64)
    # Glorot-style init for weights, zeros for bias (PyG GCNConv defaults)
    W1 = jax.random.normal(k3, (in_channels, hidden_channels), dtype=jnp.float32) * (1.0 / np.sqrt(in_channels))
    b1 = jnp.zeros((hidden_channels,), dtype=jnp.float32)
    W2 = jax.random.normal(k4, (hidden_channels, 1), dtype=jnp.float32) * (1.0 / np.sqrt(hidden_channels))
    b2 = jnp.zeros((1,), dtype=jnp.float32)
    return {"x": x, "edge_index": edge_index, "W1": W1, "b1": b1, "W2": W2, "b2": b2}


def reference(x, edge_index, W1, b1, W2, b2):
    h = gcn_conv(x, edge_index, W1, b1)
    h = jax.nn.relu(h)
    out = gcn_conv(h, edge_index, W2, b2)
    return out.reshape(-1)

if __name__ == "__main__":
    import jax
    _d = setup_inputs()
    print(jax.jit(kernel)(*tuple(_d.values())))

</pallas_src>

<mosaic_0001>
#map = affine_map<(d0, d1) -> (0)>
module attributes {stable_mosaic.version = 14 : i64} {
  func.func @sc_gcn_scalar_agg(%arg0: i32, %arg1: i32, %arg2: memref<320000xi32, #tpu.memory_space<hbm>>, %arg3: memref<320000xi32, #tpu.memory_space<hbm>>, %arg4: memref<10240xf32, #tpu.memory_space<hbm>>, %arg5: memref<10240xf32, #tpu.memory_space<hbm>>, %arg6: memref<16xf32, #tpu.memory_space<hbm>>, %arg7: memref<10240xf32, #tpu.memory_space<hbm>>, %arg8: memref<10240xf32, #tpu.memory_space<hbm>>, %arg9: memref<2000xi32, #tpu.memory_space<vmem>>, %arg10: memref<2000xi32, #tpu.memory_space<vmem>>, %arg11: memref<2000xf32, #tpu.memory_space<vmem>>, %arg12: memref<640xf32, #tpu.memory_space<vmem>>, %arg13: memref<640xf32, #tpu.memory_space<vmem>>, %arg14: memref<640xf32, #tpu.memory_space<vmem>>, %arg15: memref<16xf32, #tpu.memory_space<vmem>>, %arg16: memref<10240xf32, #tpu.memory_space<vmem_shared>>, %arg17: memref<!tpu.dma_semaphore, #tpu.memory_space<semaphore_mem>>) attributes {dimension_semantics = [#tpu.dimension_semantics<core_parallel>, #tpu.dimension_semantics<subcore_parallel>], iteration_bounds = array<i64: 2, 16>, scalar_prefetch = 0 : i64, scratch_operands = 9 : i64, tpu.core_type = #tpu.core_type<sc_vector_subcore>, window_params = [{transform_indices = #map}, {transform_indices = #map}, {transform_indices = #map}, {transform_indices = #map}, {transform_indices = #map}, {transform_indices = #map}, {transform_indices = #map}]} {
    %eq3A = arith.constant 0 : i32
    %eq3A_0 = arith.cmpi eq, %arg0, %eq3A : i32
    %convert_element_type3A = arith.extui %eq3A_0 : i1 to i32
    %cond3A = arith.constant 0 : i32
    %cond3A_1 = arith.cmpi ne, %convert_element_type3A, %cond3A : i32
    scf.if %cond3A_1 {
      %mul3A = arith.constant 640 : i32
      %mul3A_2 = arith.muli %arg1, %mul3A : i32
      %mul3A_3 = arith.constant 640 : i32
      %mul3A_4 = arith.muli %arg1, %mul3A_3 : i32
      "tpu.region"() ({
        %run_scoped3A = tpu.sem_alloc : memref<!tpu.dma_semaphore, #tpu.memory_space<semaphore_mem>>
        %dma_start3A = tpu.memref_slice %arg16[%mul3A_4] : memref<10240xf32, #tpu.memory_space<vmem_shared>> -> memref<640xf32, #tpu.memory_space<vmem_shared>>
        %dma_start3A_23 = tpu.memref_slice %arg7[%mul3A_2] : memref<10240xf32, #tpu.memory_space<hbm>> -> memref<640xf32, #tpu.memory_space<hbm>>
        tpu.enqueue_dma source(%dma_start3A_23 : memref<640xf32, #tpu.memory_space<hbm>>) target(%dma_start3A : memref<640xf32, #tpu.memory_space<vmem_shared>>) target_semaphore(%run_scoped3A : memref<!tpu.dma_semaphore, #tpu.memory_space<semaphore_mem>>)
        %dma_wait3A = tpu.memref_slice %arg16[%mul3A_4] : memref<10240xf32, #tpu.memory_space<vmem_shared>> -> memref<640xf32, #tpu.memory_space<vmem_shared>>
        %dma_wait3A_24 = tpu.memref_slice %arg7[%mul3A_2] : memref<10240xf32, #tpu.memory_space<hbm>> -> memref<640xf32, #tpu.memory_space<hbm>>
        tpu.wait_dma2 semaphore(%run_scoped3A : memref<!tpu.dma_semaphore, #tpu.memory_space<semaphore_mem>>) src(%dma_wait3A_24 : memref<640xf32, #tpu.memory_space<hbm>>) dst(%dma_wait3A : memref<640xf32, #tpu.memory_space<vmem_shared>>)
        tpu.yield
      }) : () -> ()
      %barrier3A = arith.constant 0 : index
      tpu.barrier barrier_id(%barrier3A)
      %scan3A = arith.constant 0 : i32
      %scan3A_5 = arith.constant 10 : i32
      %scan3A_6 = arith.addi %scan3A, %scan3A_5 : i32
      %scan3A_7 = arith.constant 1 : i32
      scf.for %scan3A_23 = %scan3A to %scan3A_6 step %scan3A_7  : i32 {
        %mul3A_24 = arith.constant 20000 : i32
        %mul3A_25 = arith.muli %arg1, %mul3A_24 : i32
        %mul3A_26 = arith.constant 2000 : i32
        %mul3A_27 = arith.muli %scan3A_23, %mul3A_26 : i32
        %add3A = arith.addi %mul3A_25, %mul3A_27 : i32
        "tpu.region"() ({
          %run_scoped3A = tpu.sem_alloc : memref<!tpu.dma_semaphore, #tpu.memory_space<semaphore_mem>>
          %dma_start3A_30 = tpu.memref_slice %arg2[%add3A] : memref<320000xi32, #tpu.memory_space<hbm>> -> memref<2000xi32, #tpu.memory_space<hbm>>
          %dma_start3A_31 = tpu.memref_slice %arg2[%add3A] : memref<320000xi32, #tpu.memory_space<hbm>> -> memref<2000xi32, #tpu.memory_space<hbm>>
          tpu.enqueue_dma source(%dma_start3A_31 : memref<2000xi32, #tpu.memory_space<hbm>>) target(%arg9 : memref<2000xi32, #tpu.memory_space<vmem>>) target_semaphore(%run_scoped3A : memref<!tpu.dma_semaphore, #tpu.memory_space<semaphore_mem>>)
          %dma_wait3A_32 = tpu.memref_slice %arg2[%add3A] : memref<320000xi32, #tpu.memory_space<hbm>> -> memref<2000xi32, #tpu.memory_space<hbm>>
          %dma_wait3A_33 = tpu.memref_slice %arg2[%add3A] : memref<320000xi32, #tpu.memory_space<hbm>> -> memref<2000xi32, #tpu.memory_space<hbm>>
          tpu.wait_dma2 semaphore(%run_scoped3A : memref<!tpu.dma_semaphore, #tpu.memory_space<semaphore_mem>>) src(%dma_wait3A_33 : memref<2000xi32, #tpu.memory_space<hbm>>) dst(%arg9 : memref<2000xi32, #tpu.memory_space<vmem>>)
          tpu.yield
        }) : () -> ()
        "tpu.region"() ({
          %run_scoped3A = tpu.sem_alloc : memref<!tpu.dma_semaphore, #tpu.memory_space<semaphore_mem>>
          %dma_start3A_30 = tpu.memref_slice %arg3[%add3A] : memref<320000xi32, #tpu.memory_space<hbm>> -> memref<2000xi32, #tpu.memory_space<hbm>>
          %dma_start3A_31 = tpu.memref_slice %arg3[%add3A] : memref<320000xi32, #tpu.memory_space<hbm>> -> memref<2000xi32, #tpu.memory_space<hbm>>
          tpu.enqueue_dma source(%dma_start3A_31 : memref<2000xi32, #tpu.memory_space<hbm>>) target(%arg10 : memref<2000xi32, #tpu.memory_space<vmem>>) target_semaphore(%run_scoped3A : memref<!tpu.dma_semaphore, #tpu.memory_space<semaphore_mem>>)
          %dma_wait3A_32 = tpu.memref_slice %arg3[%add3A] : memref<320000xi32, #tpu.memory_space<hbm>> -> memref<2000xi32, #tpu.memory_space<hbm>>
          %dma_wait3A_33 = tpu.memref_slice %arg3[%add3A] : memref<320000xi32, #tpu.memory_space<hbm>> -> memref<2000xi32, #tpu.memory_space<hbm>>
          tpu.wait_dma2 semaphore(%run_scoped3A : memref<!tpu.dma_semaphore, #tpu.memory_space<semaphore_mem>>) src(%dma_wait3A_33 : memref<2000xi32, #tpu.memory_space<hbm>>) dst(%arg10 : memref<2000xi32, #tpu.memory_space<vmem>>)
          tpu.yield
        }) : () -> ()
        %dma_start3A = arith.constant 0 : i32
        %dma_start3A_28 = tpu.memref_slice %arg4[%dma_start3A] : memref<10240xf32, #tpu.memory_space<hbm>> -> memref<10240xf32, #tpu.memory_space<hbm>>
        tpu.enqueue_indirect_dma source(%dma_start3A_28 : memref<10240xf32, #tpu.memory_space<hbm>>) target(%arg11 : memref<2000xf32, #tpu.memory_space<vmem>>) offsets(%arg9 : memref<2000xi32, #tpu.memory_space<vmem>>) semaphore(%arg17 : memref<!tpu.dma_semaphore, #tpu.memory_space<semaphore_mem>>)
        %dma_wait3A = arith.constant 0 : i32
        %dma_wait3A_29 = tpu.memref_slice %arg4[%dma_wait3A] : memref<10240xf32, #tpu.memory_space<hbm>> -> memref<10240xf32, #tpu.memory_space<hbm>>
        tpu.wait_indirect_dma semaphore(%arg17 : memref<!tpu.dma_semaphore, #tpu.memory_space<semaphore_mem>>) src(%dma_wait3A_29 : memref<10240xf32, #tpu.memory_space<hbm>>) dst(%arg11 : memref<2000xf32, #tpu.memory_space<vmem>>)
        "tpu.region"() ({
          %run_scoped3A = tpu.sem_alloc : memref<!tpu.dma_semaphore, #tpu.memory_space<semaphore_mem>>
          %dma_start3A_30 = arith.constant 0 : i32
          %dma_start3A_31 = tpu.memref_slice %arg16[%dma_start3A_30] : memref<10240xf32, #tpu.memory_space<vmem_shared>> -> memref<10240xf32, #tpu.memory_space<vmem_shared>>
          tpu.enqueue_indirect_dma source(%arg11 : memref<2000xf32, #tpu.memory_space<vmem>>) target(%dma_start3A_31 : memref<10240xf32, #tpu.memory_space<vmem_shared>>) offsets(%arg10 : memref<2000xi32, #tpu.memory_space<vmem>>) semaphore(%run_scoped3A : memref<!tpu.dma_semaphore, #tpu.memory_space<semaphore_mem>>) {add = true}
          %dma_wait3A_32 = arith.constant 0 : i32
          %dma_wait3A_33 = tpu.memref_slice %arg16[%dma_wait3A_32] : memref<10240xf32, #tpu.memory_space<vmem_shared>> -> memref<10240xf32, #tpu.memory_space<vmem_shared>>
          tpu.wait_indirect_dma semaphore(%run_scoped3A : memref<!tpu.dma_semaphore, #tpu.memory_space<semaphore_mem>>) src(%arg11 : memref<2000xf32, #tpu.memory_space<vmem>>) dst(%dma_wait3A_33 : memref<10240xf32, #tpu.memory_space<vmem_shared>>)
          tpu.yield
        }) : () -> ()
      }
      %scan3A_8 = arith.constant 10 : i32
      %barrier3A_9 = arith.constant 0 : index
      tpu.barrier barrier_id(%barrier3A_9)
      %mul3A_10 = arith.constant 640 : i32
      %mul3A_11 = arith.muli %arg1, %mul3A_10 : i32
      "tpu.region"() ({
        %run_scoped3A = tpu.sem_alloc : memref<!tpu.dma_semaphore, #tpu.memory_space<semaphore_mem>>
        %dma_start3A = tpu.memref_slice %arg16[%mul3A_11] : memref<10240xf32, #tpu.memory_space<vmem_shared>> -> memref<640xf32, #tpu.memory_space<vmem_shared>>
        %dma_start3A_23 = tpu.memref_slice %arg16[%mul3A_11] : memref<10240xf32, #tpu.memory_space<vmem_shared>> -> memref<640xf32, #tpu.memory_space<vmem_shared>>
        tpu.enqueue_dma source(%dma_start3A_23 : memref<640xf32, #tpu.memory_space<vmem_shared>>) target(%arg14 : memref<640xf32, #tpu.memory_space<vmem>>) target_semaphore(%run_scoped3A : memref<!tpu.dma_semaphore, #tpu.memory_space<semaphore_mem>>)
        %dma_wait3A = tpu.memref_slice %arg16[%mul3A_11] : memref<10240xf32, #tpu.memory_space<vmem_shared>> -> memref<640xf32, #tpu.memory_space<vmem_shared>>
        %dma_wait3A_24 = tpu.memref_slice %arg16[%mul3A_11] : memref<10240xf32, #tpu.memory_space<vmem_shared>> -> memref<640xf32, #tpu.memory_space<vmem_shared>>
        tpu.wait_dma2 semaphore(%run_scoped3A : memref<!tpu.dma_semaphore, #tpu.memory_space<semaphore_mem>>) src(%dma_wait3A_24 : memref<640xf32, #tpu.memory_space<vmem_shared>>) dst(%arg14 : memref<640xf32, #tpu.memory_space<vmem>>)
        tpu.yield
      }) : () -> ()
      %mul3A_12 = arith.constant 640 : i32
      %mul3A_13 = arith.muli %arg1, %mul3A_12 : i32
      "tpu.region"() ({
        %run_scoped3A = tpu.sem_alloc : memref<!tpu.dma_semaphore, #tpu.memory_space<semaphore_mem>>
        %dma_start3A = tpu.memref_slice %arg4[%mul3A_13] : memref<10240xf32, #tpu.memory_space<hbm>> -> memref<640xf32, #tpu.memory_space<hbm>>
        %dma_start3A_23 = tpu.memref_slice %arg4[%mul3A_13] : memref<10240xf32, #tpu.memory_space<hbm>> -> memref<640xf32, #tpu.memory_space<hbm>>
        tpu.enqueue_dma source(%dma_start3A_23 : memref<640xf32, #tpu.memory_space<hbm>>) target(%arg12 : memref<640xf32, #tpu.memory_space<vmem>>) target_semaphore(%run_scoped3A : memref<!tpu.dma_semaphore, #tpu.memory_space<semaphore_mem>>)
        %dma_wait3A = tpu.memref_slice %arg4[%mul3A_13] : memref<10240xf32, #tpu.memory_space<hbm>> -> memref<640xf32, #tpu.memory_space<hbm>>
        %dma_wait3A_24 = tpu.memref_slice %arg4[%mul3A_13] : memref<10240xf32, #tpu.memory_space<hbm>> -> memref<640xf32, #tpu.memory_space<hbm>>
        tpu.wait_dma2 semaphore(%run_scoped3A : memref<!tpu.dma_semaphore, #tpu.memory_space<semaphore_mem>>) src(%dma_wait3A_24 : memref<640xf32, #tpu.memory_space<hbm>>) dst(%arg12 : memref<640xf32, #tpu.memory_space<vmem>>)
        tpu.yield
      }) : () -> ()
      %mul3A_14 = arith.constant 640 : i32
      %mul3A_15 = arith.muli %arg1, %mul3A_14 : i32
      "tpu.region"() ({
        %run_scoped3A = tpu.sem_alloc : memref<!tpu.dma_semaphore, #tpu.memory_space<semaphore_mem>>
        %dma_start3A = tpu.memref_slice %arg5[%mul3A_15] : memref<10240xf32, #tpu.memory_space<hbm>> -> memref<640xf32, #tpu.memory_space<hbm>>
        %dma_start3A_23 = tpu.memref_slice %arg5[%mul3A_15] : memref<10240xf32, #tpu.memory_space<hbm>> -> memref<640xf32, #tpu.memory_space<hbm>>
        tpu.enqueue_dma source(%dma_start3A_23 : memref<640xf32, #tpu.memory_space<hbm>>) target(%arg13 : memref<640xf32, #tpu.memory_space<vmem>>) target_semaphore(%run_scoped3A : memref<!tpu.dma_semaphore, #tpu.memory_space<semaphore_mem>>)
        %dma_wait3A = tpu.memref_slice %arg5[%mul3A_15] : memref<10240xf32, #tpu.memory_space<hbm>> -> memref<640xf32, #tpu.memory_space<hbm>>
        %dma_wait3A_24 = tpu.memref_slice %arg5[%mul3A_15] : memref<10240xf32, #tpu.memory_space<hbm>> -> memref<640xf32, #tpu.memory_space<hbm>>
        tpu.wait_dma2 semaphore(%run_scoped3A : memref<!tpu.dma_semaphore, #tpu.memory_space<semaphore_mem>>) src(%dma_wait3A_24 : memref<640xf32, #tpu.memory_space<hbm>>) dst(%arg13 : memref<640xf32, #tpu.memory_space<vmem>>)
        tpu.yield
      }) : () -> ()
      "tpu.region"() ({
        %run_scoped3A = tpu.sem_alloc : memref<!tpu.dma_semaphore, #tpu.memory_space<semaphore_mem>>
        tpu.enqueue_dma source(%arg6 : memref<16xf32, #tpu.memory_space<hbm>>) target(%arg15 : memref<16xf32, #tpu.memory_space<vmem>>) target_semaphore(%run_scoped3A : memref<!tpu.dma_semaphore, #tpu.memory_space<semaphore_mem>>)
        tpu.wait_dma2 semaphore(%run_scoped3A : memref<!tpu.dma_semaphore, #tpu.memory_space<semaphore_mem>>) src(%arg6 : memref<16xf32, #tpu.memory_space<hbm>>) dst(%arg15 : memref<16xf32, #tpu.memory_space<vmem>>)
        tpu.yield
      }) : () -> ()
      %scan3A_16 = arith.constant 0 : i32
      %scan3A_17 = arith.constant 40 : i32
      %scan3A_18 = arith.addi %scan3A_16, %scan3A_17 : i32
      %scan3A_19 = arith.constant 1 : i32
      scf.for %scan3A_23 = %scan3A_16 to %scan3A_18 step %scan3A_19  : i32 {
        %mul3A_24 = arith.constant 16 : i32
        %mul3A_25 = arith.muli %scan3A_23, %mul3A_24 : i32
        %get3A = arith.index_cast %mul3A_25 : i32 to index
        %get3A_26 = tpu.vector_load %arg14[%get3A] {strides = array<i32>} : memref<640xf32, #tpu.memory_space<vmem>>, vector<16xf32>,
        %get3A_27 = vector.shape_cast %get3A_26 : vector<16xf32> to vector<16xf32>
        %get3A_28 = arith.index_cast %mul3A_25 : i32 to index
        %get3A_29 = tpu.vector_load %arg12[%get3A_28] {strides = array<i32>} : memref<640xf32, #tpu.memory_space<vmem>>, vector<16xf32>,
        %get3A_30 = vector.shape_cast %get3A_29 : vector<16xf32> to vector<16xf32>
        %add3A = arith.addf %get3A_27, %get3A_30 : vector<16xf32>
        %get3A_31 = arith.index_cast %mul3A_25 : i32 to index
        %get3A_32 = tpu.vector_load %arg13[%get3A_31] {strides = array<i32>} : memref<640xf32, #tpu.memory_space<vmem>>, vector<16xf32>,
        %get3A_33 = vector.shape_cast %get3A_32 : vector<16xf32> to vector<16xf32>
        %mul3A_34 = arith.mulf %add3A, %get3A_33 : vector<16xf32>
        %get3A_35 = arith.constant 0 : index
        %get3A_36 = tpu.vector_load %arg15[%get3A_35] {strides = array<i32>} : memref<16xf32, #tpu.memory_space<vmem>>, vector<16xf32>,
        %get3A_37 = vector.shape_cast %get3A_36 : vector<16xf32> to vector<16xf32>
        %add3A_38 = arith.addf %mul3A_34, %get3A_37 : vector<16xf32>
        %swap3A = arith.index_cast %mul3A_25 : i32 to index
        %swap3A_39 = tpu.vector_load %arg14[%swap3A] {strides = array<i32>} : memref<640xf32, #tpu.memory_space<vmem>>, vector<16xf32>,
        %swap3A_40 = vector.shape_cast %swap3A_39 : vector<16xf32> to vector<16xf32>
        %swap3A_41 = vector.shape_cast %add3A_38 : vector<16xf32> to vector<16xf32>
        tpu.vector_store %arg14[%swap3A], %swap3A_41 {strides = array<i32>} : memref<640xf32, #tpu.memory_space<vmem>>, vector<16xf32>,
      }
      %scan3A_20 = arith.constant 40 : i32
      %mul3A_21 = arith.constant 640 : i32
      %mul3A_22 = arith.muli %arg1, %mul3A_21 : i32
      "tpu.region"() ({
        %run_scoped3A = tpu.sem_alloc : memref<!tpu.dma_semaphore, #tpu.memory_space<semaphore_mem>>
        %dma_start3A = tpu.memref_slice %arg8[%mul3A_22] : memref<10240xf32, #tpu.memory_space<hbm>> -> memref<640xf32, #tpu.memory_space<hbm>>
        %dma_start3A_23 = tpu.memref_slice %arg8[%mul3A_22] : memref<10240xf32, #tpu.memory_space<hbm>> -> memref<640xf32, #tpu.memory_space<hbm>>
        tpu.enqueue_dma source(%arg14 : memref<640xf32, #tpu.memory_space<vmem>>) target(%dma_start3A_23 : memref<640xf32, #tpu.memory_space<hbm>>) target_semaphore(%run_scoped3A : memref<!tpu.dma_semaphore, #tpu.memory_space<semaphore_mem>>)
        %dma_wait3A = tpu.memref_slice %arg8[%mul3A_22] : memref<10240xf32, #tpu.memory_space<hbm>> -> memref<640xf32, #tpu.memory_space<hbm>>
        %dma_wait3A_24 = tpu.memref_slice %arg8[%mul3A_22] : memref<10240xf32, #tpu.memory_space<hbm>> -> memref<640xf32, #tpu.memory_space<hbm>>
        tpu.wait_dma2 semaphore(%run_scoped3A : memref<!tpu.dma_semaphore, #tpu.memory_space<semaphore_mem>>) src(%arg14 : memref<640xf32, #tpu.memory_space<vmem>>) dst(%dma_wait3A_24 : memref<640xf32, #tpu.memory_space<hbm>>)
        tpu.yield
      }) : () -> ()
    } else {
    }
    return
  }
}

#map = affine_map<(d0, d1) -> (0)>
module attributes {stable_mosaic.version = 14 : i64} {
  func.func @sc_gcn_degree(%arg0: i32, %arg1: i32, %arg2: memref<320000xi32, #tpu.memory_space<hbm>>, %arg3: memref<10240xf32, #tpu.memory_space<hbm>>, %arg4: memref<20480xf32, #tpu.memory_space<hbm>>, %arg5: memref<2000xi32, #tpu.memory_space<vmem>>, %arg6: memref<2000xf32, #tpu.memory_space<vmem>>, %arg7: memref<10240xf32, #tpu.memory_space<vmem_shared>>) attributes {dimension_semantics = [#tpu.dimension_semantics<core_parallel>, #tpu.dimension_semantics<subcore_parallel>], iteration_bounds = array<i64: 2, 16>, scalar_prefetch = 0 : i64, scratch_operands = 3 : i64, tpu.core_type = #tpu.core_type<sc_vector_subcore>, window_params = [{transform_indices = #map}, {transform_indices = #map}, {transform_indices = #map}]} {
    %scan3A = arith.constant 0 : i32
    %scan3A_0 = arith.constant 125 : i32
    %scan3A_1 = arith.addi %scan3A, %scan3A_0 : i32
    %scan3A_2 = arith.constant 1 : i32
    scf.for %scan3A_22 = %scan3A to %scan3A_1 step %scan3A_2  : i32 {
      %broadcast_in_dim3A = arith.constant 1.000000e+00 : f32
      %broadcast_in_dim3A_23 = vector.broadcast %broadcast_in_dim3A : f32 to vector<16xf32>
      %mul3A_24 = arith.constant 16 : i32
      %mul3A_25 = arith.muli %scan3A_22, %mul3A_24 : i32
      %swap3A = arith.index_cast %mul3A_25 : i32 to index
      %swap3A_26 = tpu.vector_load %arg6[%swap3A] {strides = array<i32>} : memref<2000xf32, #tpu.memory_space<vmem>>, vector<16xf32>,
      %swap3A_27 = vector.shape_cast %swap3A_26 : vector<16xf32> to vector<16xf32>
      %swap3A_28 = vector.shape_cast %broadcast_in_dim3A_23 : vector<16xf32> to vector<16xf32>
      tpu.vector_store %arg6[%swap3A], %swap3A_28 {strides = array<i32>} : memref<2000xf32, #tpu.memory_space<vmem>>, vector<16xf32>,
    }
    %scan3A_3 = arith.constant 125 : i32
    %mul3A = arith.constant 640 : i32
    %mul3A_4 = arith.muli %arg1, %mul3A : i32
    %mul3A_5 = arith.constant 640 : i32
    %mul3A_6 = arith.muli %arg1, %mul3A_5 : i32
    "tpu.region"() ({
      %run_scoped3A = tpu.sem_alloc : memref<!tpu.dma_semaphore, #tpu.memory_space<semaphore_mem>>
      %dma_start3A = tpu.memref_slice %arg7[%mul3A_6] : memref<10240xf32, #tpu.memory_space<vmem_shared>> -> memref<640xf32, #tpu.memory_space<vmem_shared>>
      %dma_start3A_22 = tpu.memref_slice %arg3[%mul3A_4] : memref<10240xf32, #tpu.memory_space<hbm>> -> memref<640xf32, #tpu.memory_space<hbm>>
      tpu.enqueue_dma source(%dma_start3A_22 : memref<640xf32, #tpu.memory_space<hbm>>) target(%dma_start3A : memref<640xf32, #tpu.memory_space<vmem_shared>>) target_semaphore(%run_scoped3A : memref<!tpu.dma_semaphore, #tpu.memory_space<semaphore_mem>>)
      %dma_wait3A = tpu.memref_slice %arg7[%mul3A_6] : memref<10240xf32, #tpu.memory_space<vmem_shared>> -> memref<640xf32, #tpu.memory_space<vmem_shared>>
      %dma_wait3A_23 = tpu.memref_slice %arg3[%mul3A_4] : memref<10240xf32, #tpu.memory_space<hbm>> -> memref<640xf32, #tpu.memory_space<hbm>>
      tpu.wait_dma2 semaphore(%run_scoped3A : memref<!tpu.dma_semaphore, #tpu.memory_space<semaphore_mem>>) src(%dma_wait3A_23 : memref<640xf32, #tpu.memory_space<hbm>>) dst(%dma_wait3A : memref<640xf32, #tpu.memory_space<vmem_shared>>)
      tpu.yield
    }) : () -> ()
    %barrier3A = arith.constant 0 : index
    tpu.barrier barrier_id(%barrier3A)
    %mul3A_7 = arith.constant 16 : i32
    %mul3A_8 = arith.muli %arg0, %mul3A_7 : i32
    %add3A = arith.addi %mul3A_8, %arg1 : i32
    %scan3A_9 = arith.constant 0 : i32
    %scan3A_10 = arith.constant 5 : i32
    %scan3A_11 = arith.addi %scan3A_9, %scan3A_10 : i32
    %scan3A_12 = arith.constant 1 : i32
    scf.for %scan3A_22 = %scan3A_9 to %scan3A_11 step %scan3A_12  : i32 {
      %mul3A_23 = arith.constant 10000 : i32
      %mul3A_24 = arith.muli %add3A, %mul3A_23 : i32
      %mul3A_25 = arith.constant 2000 : i32
      %mul3A_26 = arith.muli %scan3A_22, %mul3A_25 : i32
      %add3A_27 = arith.addi %mul3A_24, %mul3A_26 : i32
      "tpu.region"() ({
        %run_scoped3A = tpu.sem_alloc : memref<!tpu.dma_semaphore, #tpu.memory_space<semaphore_mem>>
        %dma_start3A = tpu.memref_slice %arg2[%add3A_27] : memref<320000xi32, #tpu.memory_space<hbm>> -> memref<2000xi32, #tpu.memory_space<hbm>>
        %dma_start3A_28 = tpu.memref_slice %arg2[%add3A_27] : memref<320000xi32, #tpu.memory_space<hbm>> -> memref<2000xi32, #tpu.memory_space<hbm>>
        tpu.enqueue_dma source(%dma_start3A_28 : memref<2000xi32, #tpu.memory_space<hbm>>) target(%arg5 : memref<2000xi32, #tpu.memory_space<vmem>>) target_semaphore(%run_scoped3A : memref<!tpu.dma_semaphore, #tpu.memory_space<semaphore_mem>>)
        %dma_wait3A = tpu.memref_slice %arg2[%add3A_27] : memref<320000xi32, #tpu.memory_space<hbm>> -> memref<2000xi32, #tpu.memory_space<hbm>>
        %dma_wait3A_29 = tpu.memref_slice %arg2[%add3A_27] : memref<320000xi32, #tpu.memory_space<hbm>> -> memref<2000xi32, #tpu.memory_space<hbm>>
        tpu.wait_dma2 semaphore(%run_scoped3A : memref<!tpu.dma_semaphore, #tpu.memory_space<semaphore_mem>>) src(%dma_wait3A_29 : memref<2000xi32, #tpu.memory_space<hbm>>) dst(%arg5 : memref<2000xi32, #tpu.memory_space<vmem>>)
        tpu.yield
      }) : () -> ()
      "tpu.region"() ({
        %run_scoped3A = tpu.sem_alloc : memref<!tpu.dma_semaphore, #tpu.memory_space<semaphore_mem>>
        %dma_start3A = arith.constant 0 : i32
        %dma_start3A_28 = tpu.memref_slice %arg7[%dma_start3A] : memref<10240xf32, #tpu.memory_space<vmem_shared>> -> memref<10240xf32, #tpu.memory_space<vmem_shared>>
        tpu.enqueue_indirect_dma source(%arg6 : memref<2000xf32, #tpu.memory_space<vmem>>) target(%dma_start3A_28 : memref<10240xf32, #tpu.memory_space<vmem_shared>>) offsets(%arg5 : memref<2000xi32, #tpu.memory_space<vmem>>) semaphore(%run_scoped3A : memref<!tpu.dma_semaphore, #tpu.memory_space<semaphore_mem>>) {add = true}
        %dma_wait3A = arith.constant 0 : i32
        %dma_wait3A_29 = tpu.memref_slice %arg7[%dma_wait3A] : memref<10240xf32, #tpu.memory_space<vmem_shared>> -> memref<10240xf32, #tpu.memory_space<vmem_shared>>
        tpu.wait_indirect_dma semaphore(%run_scoped3A : memref<!tpu.dma_semaphore, #tpu.memory_space<semaphore_mem>>) src(%arg6 : memref<2000xf32, #tpu.memory_space<vmem>>) dst(%dma_wait3A_29 : memref<10240xf32, #tpu.memory_space<vmem_shared>>)
        tpu.yield
      }) : () -> ()
    }
    %scan3A_13 = arith.constant 5 : i32
    %barrier3A_14 = arith.constant 0 : index
    tpu.barrier barrier_id(%barrier3A_14)
    %mul3A_15 = arith.constant 640 : i32
    %mul3A_16 = arith.muli %arg1, %mul3A_15 : i32
    %mul3A_17 = arith.constant 10240 : i32
    %mul3A_18 = arith.muli %arg0, %mul3A_17 : i32
    %mul3A_19 = arith.constant 640 : i32
    %mul3A_20 = arith.muli %arg1, %mul3A_19 : i32
    %add3A_21 = arith.addi %mul3A_18, %mul3A_20 : i32
    "tpu.region"() ({
      %run_scoped3A = tpu.sem_alloc : memref<!tpu.dma_semaphore, #tpu.memory_space<semaphore_mem>>
      %dma_start3A = tpu.memref_slice %arg4[%add3A_21] : memref<20480xf32, #tpu.memory_space<hbm>> -> memref<640xf32, #tpu.memory_space<hbm>>
      %dma_start3A_22 = tpu.memref_slice %arg7[%mul3A_16] : memref<10240xf32, #tpu.memory_space<vmem_shared>> -> memref<640xf32, #tpu.memory_space<vmem_shared>>
      tpu.enqueue_dma source(%dma_start3A_22 : memref<640xf32, #tpu.memory_space<vmem_shared>>) target(%dma_start3A : memref<640xf32, #tpu.memory_space<hbm>>) target_semaphore(%run_scoped3A : memref<!tpu.dma_semaphore, #tpu.memory_space<semaphore_mem>>)
      %dma_wait3A = tpu.memref_slice %arg4[%add3A_21] : memref<20480xf32, #tpu.memory_space<hbm>> -> memref<640xf32, #tpu.memory_space<hbm>>
      %dma_wait3A_23 = tpu.memref_slice %arg7[%mul3A_16] : memref<10240xf32, #tpu.memory_space<vmem_shared>> -> memref<640xf32, #tpu.memory_space<vmem_shared>>
      tpu.wait_dma2 semaphore(%run_scoped3A : memref<!tpu.dma_semaphore, #tpu.memory_space<semaphore_mem>>) src(%dma_wait3A_23 : memref<640xf32, #tpu.memory_space<vmem_shared>>) dst(%dma_wait3A : memref<640xf32, #tpu.memory_space<hbm>>)
      tpu.yield
    }) : () -> ()
    return
  }
}

#map = affine_map<(d0, d1) -> (0)>
#map1 = affine_map<(d0, d1) -> (0, 0)>
module attributes {stable_mosaic.version = 14 : i64} {
  func.func @sc_gcn_edge_agg(%arg0: i32, %arg1: i32, %arg2: memref<320000xi32, #tpu.memory_space<hbm>>, %arg3: memref<320000xi32, #tpu.memory_space<hbm>>, %arg4: memref<10000x128xf32, #tpu.memory_space<hbm>>, %arg5: memref<10240x128xf32, #tpu.memory_space<hbm>>, %arg6: memref<20480x128xf32, #tpu.memory_space<hbm>>, %arg7: memref<200xi32, #tpu.memory_space<vmem>>, %arg8: memref<200xi32, #tpu.memory_space<vmem>>, %arg9: memref<200x128xf32, #tpu.memory_space<vmem>>, %arg10: memref<10240x128xf32, #tpu.memory_space<vmem_shared>>, %arg11: memref<!tpu.dma_semaphore, #tpu.memory_space<semaphore_mem>>) attributes {dimension_semantics = [#tpu.dimension_semantics<core_parallel>, #tpu.dimension_semantics<subcore_parallel>], iteration_bounds = array<i64: 2, 16>, scalar_prefetch = 0 : i64, scratch_operands = 5 : i64, tpu.core_type = #tpu.core_type<sc_vector_subcore>, window_params = [{transform_indices = #map}, {transform_indices = #map}, {transform_indices = #map1}, {transform_indices = #map1}, {transform_indices = #map1}]} {
    %mul3A = arith.constant 640 : i32
    %mul3A_0 = arith.muli %arg1, %mul3A : i32
    %mul3A_1 = arith.constant 640 : i32
    %mul3A_2 = arith.muli %arg1, %mul3A_1 : i32
    "tpu.region"() ({
      %run_scoped3A = tpu.sem_alloc : memref<!tpu.dma_semaphore, #tpu.memory_space<semaphore_mem>>
      %dma_start3A = arith.constant 0 : i32
      %dma_start3A_17 = tpu.memref_slice %arg10[%mul3A_2, %dma_start3A] : memref<10240x128xf32, #tpu.memory_space<vmem_shared>> -> memref<640x128xf32, #tpu.memory_space<vmem_shared>>
      %dma_start3A_18 = arith.constant 0 : i32
      %dma_start3A_19 = tpu.memref_slice %arg5[%mul3A_0, %dma_start3A_18] : memref<10240x128xf32, #tpu.memory_space<hbm>> -> memref<640x128xf32, #tpu.memory_space<hbm>>
      tpu.enqueue_dma source(%dma_start3A_19 : memref<640x128xf32, #tpu.memory_space<hbm>>) target(%dma_start3A_17 : memref<640x128xf32, #tpu.memory_space<vmem_shared>>) target_semaphore(%run_scoped3A : memref<!tpu.dma_semaphore, #tpu.memory_space<semaphore_mem>>)
      %dma_wait3A = arith.constant 0 : i32
      %dma_wait3A_20 = tpu.memref_slice %arg10[%mul3A_2, %dma_wait3A] : memref<10240x128xf32, #tpu.memory_space<vmem_shared>> -> memref<640x128xf32, #tpu.memory_space<vmem_shared>>
      %dma_wait3A_21 = arith.constant 0 : i32
      %dma_wait3A_22 = tpu.memref_slice %arg5[%mul3A_0, %dma_wait3A_21] : memref<10240x128xf32, #tpu.memory_space<hbm>> -> memref<640x128xf32, #tpu.memory_space<hbm>>
      tpu.wait_dma2 semaphore(%run_scoped3A : memref<!tpu.dma_semaphore, #tpu.memory_space<semaphore_mem>>) src(%dma_wait3A_22 : memref<640x128xf32, #tpu.memory_space<hbm>>) dst(%dma_wait3A_20 : memref<640x128xf32, #tpu.memory_space<vmem_shared>>)
      tpu.yield
    }) : () -> ()
    %barrier3A = arith.constant 0 : index
    tpu.barrier barrier_id(%barrier3A)
    %mul3A_3 = arith.constant 16 : i32
    %mul3A_4 = arith.muli %arg0, %mul3A_3 : i32
    %add3A = arith.addi %mul3A_4, %arg1 : i32
    %scan3A = arith.constant 0 : i32
    %scan3A_5 = arith.constant 50 : i32
    %scan3A_6 = arith.addi %scan3A, %scan3A_5 : i32
    %scan3A_7 = arith.constant 1 : i32
    scf.for %scan3A_17 = %scan3A to %scan3A_6 step %scan3A_7  : i32 {
      %mul3A_18 = arith.constant 10000 : i32
      %mul3A_19 = arith.muli %add3A, %mul3A_18 : i32
      %mul3A_20 = arith.constant 200 : i32
      %mul3A_21 = arith.muli %scan3A_17, %mul3A_20 : i32
      %add3A_22 = arith.addi %mul3A_19, %mul3A_21 : i32
      "tpu.region"() ({
        %run_scoped3A = tpu.sem_alloc : memref<!tpu.dma_semaphore, #tpu.memory_space<semaphore_mem>>
        %dma_start3A_27 = tpu.memref_slice %arg2[%add3A_22] : memref<320000xi32, #tpu.memory_space<hbm>> -> memref<200xi32, #tpu.memory_space<hbm>>
        %dma_start3A_28 = tpu.memref_slice %arg2[%add3A_22] : memref<320000xi32, #tpu.memory_space<hbm>> -> memref<200xi32, #tpu.memory_space<hbm>>
        tpu.enqueue_dma source(%dma_start3A_28 : memref<200xi32, #tpu.memory_space<hbm>>) target(%arg7 : memref<200xi32, #tpu.memory_space<vmem>>) target_semaphore(%run_scoped3A : memref<!tpu.dma_semaphore, #tpu.memory_space<semaphore_mem>>)
        %dma_wait3A_29 = tpu.memref_slice %arg2[%add3A_22] : memref<320000xi32, #tpu.memory_space<hbm>> -> memref<200xi32, #tpu.memory_space<hbm>>
        %dma_wait3A_30 = tpu.memref_slice %arg2[%add3A_22] : memref<320000xi32, #tpu.memory_space<hbm>> -> memref<200xi32, #tpu.memory_space<hbm>>
        tpu.wait_dma2 semaphore(%run_scoped3A : memref<!tpu.dma_semaphore, #tpu.memory_space<semaphore_mem>>) src(%dma_wait3A_30 : memref<200xi32, #tpu.memory_space<hbm>>) dst(%arg7 : memref<200xi32, #tpu.memory_space<vmem>>)
        tpu.yield
      }) : () -> ()
      "tpu.region"() ({
        %run_scoped3A = tpu.sem_alloc : memref<!tpu.dma_semaphore, #tpu.memory_space<semaphore_mem>>
        %dma_start3A_27 = tpu.memref_slice %arg3[%add3A_22] : memref<320000xi32, #tpu.memory_space<hbm>> -> memref<200xi32, #tpu.memory_space<hbm>>
        %dma_start3A_28 = tpu.memref_slice %arg3[%add3A_22] : memref<320000xi32, #tpu.memory_space<hbm>> -> memref<200xi32, #tpu.memory_space<hbm>>
        tpu.enqueue_dma source(%dma_start3A_28 : memref<200xi32, #tpu.memory_space<hbm>>) target(%arg8 : memref<200xi32, #tpu.memory_space<vmem>>) target_semaphore(%run_scoped3A : memref<!tpu.dma_semaphore, #tpu.memory_space<semaphore_mem>>)
        %dma_wait3A_29 = tpu.memref_slice %arg3[%add3A_22] : memref<320000xi32, #tpu.memory_space<hbm>> -> memref<200xi32, #tpu.memory_space<hbm>>
        %dma_wait3A_30 = tpu.memref_slice %arg3[%add3A_22] : memref<320000xi32, #tpu.memory_space<hbm>> -> memref<200xi32, #tpu.memory_space<hbm>>
        tpu.wait_dma2 semaphore(%run_scoped3A : memref<!tpu.dma_semaphore, #tpu.memory_space<semaphore_mem>>) src(%dma_wait3A_30 : memref<200xi32, #tpu.memory_space<hbm>>) dst(%arg8 : memref<200xi32, #tpu.memory_space<vmem>>)
        tpu.yield
      }) : () -> ()
      %dma_start3A = arith.constant 0 : i32
      %dma_start3A_23 = arith.constant 0 : i32
      %dma_start3A_24 = tpu.memref_slice %arg4[%dma_start3A, %dma_start3A_23] : memref<10000x128xf32, #tpu.memory_space<hbm>> -> memref<10000x128xf32, #tpu.memory_space<hbm>>
      tpu.enqueue_indirect_dma source(%dma_start3A_24 : memref<10000x128xf32, #tpu.memory_space<hbm>>) target(%arg9 : memref<200x128xf32, #tpu.memory_space<vmem>>) offsets(%arg7 : memref<200xi32, #tpu.memory_space<vmem>>) semaphore(%arg11 : memref<!tpu.dma_semaphore, #tpu.memory_space<semaphore_mem>>)
      %dma_wait3A = arith.constant 0 : i32
      %dma_wait3A_25 = arith.constant 0 : i32
      %dma_wait3A_26 = tpu.memref_slice %arg4[%dma_wait3A, %dma_wait3A_25] : memref<10000x128xf32, #tpu.memory_space<hbm>> -> memref<10000x128xf32, #tpu.memory_space<hbm>>
      tpu.wait_indirect_dma semaphore(%arg11 : memref<!tpu.dma_semaphore, #tpu.memory_space<semaphore_mem>>) src(%dma_wait3A_26 : memref<10000x128xf32, #tpu.memory_space<hbm>>) dst(%arg9 : memref<200x128xf32, #tpu.memory_space<vmem>>)
      "tpu.region"() ({
        %run_scoped3A = tpu.sem_alloc : memref<!tpu.dma_semaphore, #tpu.memory_space<semaphore_mem>>
        %dma_start3A_27 = arith.constant 0 : i32
        %dma_start3A_28 = arith.constant 0 : i32
        %dma_start3A_29 = tpu.memref_slice %arg10[%dma_start3A_27, %dma_start3A_28] : memref<10240x128xf32, #tpu.memory_space<vmem_shared>> -> memref<10240x128xf32, #tpu.memory_space<vmem_shared>>
        tpu.enqueue_indirect_dma source(%arg9 : memref<200x128xf32, #tpu.memory_space<vmem>>) target(%dma_start3A_29 : memref<10240x128xf32, #tpu.memory_space<vmem_shared>>) offsets(%arg8 : memref<200xi32, #tpu.memory_space<vmem>>) semaphore(%run_scoped3A : memref<!tpu.dma_semaphore, #tpu.memory_space<semaphore_mem>>) {add = true}
        %dma_wait3A_30 = arith.constant 0 : i32
        %dma_wait3A_31 = arith.constant 0 : i32
        %dma_wait3A_32 = tpu.memref_slice %arg10[%dma_wait3A_30, %dma_wait3A_31] : memref<10240x128xf32, #tpu.memory_space<vmem_shared>> -> memref<10240x128xf32, #tpu.memory_space<vmem_shared>>
        tpu.wait_indirect_dma semaphore(%run_scoped3A : memref<!tpu.dma_semaphore, #tpu.memory_space<semaphore_mem>>) src(%arg9 : memref<200x128xf32, #tpu.memory_space<vmem>>) dst(%dma_wait3A_32 : memref<10240x128xf32, #tpu.memory_space<vmem_shared>>)
        tpu.yield
      }) : () -> ()
    }
    %scan3A_8 = arith.constant 50 : i32
    %barrier3A_9 = arith.constant 0 : index
    tpu.barrier barrier_id(%barrier3A_9)
    %mul3A_10 = arith.constant 640 : i32
    %mul3A_11 = arith.muli %arg1, %mul3A_10 : i32
    %mul3A_12 = arith.constant 10240 : i32
    %mul3A_13 = arith.muli %arg0, %mul3A_12 : i32
    %mul3A_14 = arith.constant 640 : i32
    %mul3A_15 = arith.muli %arg1, %mul3A_14 : i32
    %add3A_16 = arith.addi %mul3A_13, %mul3A_15 : i32
    "tpu.region"() ({
      %run_scoped3A = tpu.sem_alloc : memref<!tpu.dma_semaphore, #tpu.memory_space<semaphore_mem>>
      %dma_start3A = arith.constant 0 : i32
      %dma_start3A_17 = tpu.memref_slice %arg6[%add3A_16, %dma_start3A] : memref<20480x128xf32, #tpu.memory_space<hbm>> -> memref<640x128xf32, #tpu.memory_space<hbm>>
      %dma_start3A_18 = arith.constant 0 : i32
      %dma_start3A_19 = tpu.memref_slice %arg10[%mul3A_11, %dma_start3A_18] : memref<10240x128xf32, #tpu.memory_space<vmem_shared>> -> memref<640x128xf32, #tpu.memory_space<vmem_shared>>
      tpu.enqueue_dma source(%dma_start3A_19 : memref<640x128xf32, #tpu.memory_space<vmem_shared>>) target(%dma_start3A_17 : memref<640x128xf32, #tpu.memory_space<hbm>>) target_semaphore(%run_scoped3A : memref<!tpu.dma_semaphore, #tpu.memory_space<semaphore_mem>>)
      %dma_wait3A = arith.constant 0 : i32
      %dma_wait3A_20 = tpu.memref_slice %arg6[%add3A_16, %dma_wait3A] : memref<20480x128xf32, #tpu.memory_space<hbm>> -> memref<640x128xf32, #tpu.memory_space<hbm>>
      %dma_wait3A_21 = arith.constant 0 : i32
      %dma_wait3A_22 = tpu.memref_slice %arg10[%mul3A_11, %dma_wait3A_21] : memref<10240x128xf32, #tpu.memory_space<vmem_shared>> -> memref<640x128xf32, #tpu.memory_space<vmem_shared>>
      tpu.wait_dma2 semaphore(%run_scoped3A : memref<!tpu.dma_semaphore, #tpu.memory_space<semaphore_mem>>) src(%dma_wait3A_22 : memref<640x128xf32, #tpu.memory_space<vmem_shared>>) dst(%dma_wait3A_20 : memref<640x128xf32, #tpu.memory_space<hbm>>)
      tpu.yield
    }) : () -> ()
    return
  }
}

module attributes {stable_mosaic.version = 14 : i64} {
  func.func @tc_gcn_prep(%arg0: i32, %arg1: memref<1000x1xf32, #tpu.memory_space<vmem>>, %arg2: memref<1000x1xf32, #tpu.memory_space<vmem>>, %arg3: memref<1000x128xf32, #tpu.memory_space<vmem>>, %arg4: memref<128x128xf32, #tpu.memory_space<vmem>>, %arg5: memref<1000x128xf32, #tpu.memory_space<vmem>>, %arg6: memref<1000x1xf32, #tpu.memory_space<vmem>>) attributes {dimension_semantics = [#tpu.dimension_semantics<arbitrary>], iteration_bounds = array<i64: 10>, scalar_prefetch = 0 : i64, scratch_operands = 0 : i64, tpu.core_type = #tpu.core_type<tc>, window_params = [{transform_indices = @transform_0, window_bounds = array<i64: 1000, 1>}, {transform_indices = @transform_1, window_bounds = array<i64: 1000, 1>}, {transform_indices = @transform_2, window_bounds = array<i64: 1000, 128>}, {pipeline_mode = #tpu.pipeline_mode<synchronous>, transform_indices = @transform_3, window_bounds = array<i64: 128, 128>}, {transform_indices = @transform_4, window_bounds = array<i64: 1000, 128>}, {transform_indices = @transform_5, window_bounds = array<i64: 1000, 1>}]} {
    %get3A = arith.constant 0 : index
    %get3A_0 = arith.constant 0 : index
    %get3A_1 = vector.load %arg1[%get3A, %get3A_0] : memref<1000x1xf32, #tpu.memory_space<vmem>>, vector<1000x1xf32>
    %get3A_2 = arith.constant 0 : index
    %get3A_3 = arith.constant 0 : index
    %get3A_4 = vector.load %arg2[%get3A_2, %get3A_3] : memref<1000x1xf32, #tpu.memory_space<vmem>>, vector<1000x1xf32>
    %add3A = arith.addf %get3A_1, %get3A_4 : vector<1000x1xf32>
    %add3A_5 = arith.constant 1.000000e+00 : f32
    %add3A_6 = vector.broadcast %add3A_5 : f32 to vector<1000x1xf32>
    %add3A_7 = arith.addf %add3A, %add3A_6 : vector<1000x1xf32>
    %rsqrt3A = math.rsqrt %add3A_7 : vector<1000x1xf32>
    %get3A_8 = arith.constant 0 : index
    %get3A_9 = arith.constant 0 : index
    %get3A_10 = vector.load %arg3[%get3A_8, %get3A_9] : memref<1000x128xf32, #tpu.memory_space<vmem>>, vector<1000x128xf32>
    %get3A_11 = arith.constant 0 : index
    %get3A_12 = arith.constant 0 : index
    %get3A_13 = vector.load %arg4[%get3A_11, %get3A_12] : memref<128x128xf32, #tpu.memory_space<vmem>>, vector<128x128xf32>
    %dot_general3A = arith.constant dense<0.000000e+00> : vector<1000x128xf32>
    %dot_general3A_14 = tpu.matmul %get3A_10, %get3A_13, %dot_general3A {dimension_numbers = #tpu.dot_dimension_numbers<[1], [0], [0], [1], [0, 0, 1, 1], [], []>, transpose_lhs_hint = false} : vector<1000x128xf32>, vector<128x128xf32>, vector<1000x128xf32> -> vector<1000x128xf32>
    %mul3A = vector.broadcast %rsqrt3A : vector<1000x1xf32> to vector<1000x128xf32>
    %mul3A_15 = arith.mulf %dot_general3A_14, %mul3A : vector<1000x128xf32>
    %swap3A = arith.constant 0 : index
    %swap3A_16 = arith.constant 0 : index
    %swap3A_17 = vector.load %arg5[%swap3A, %swap3A_16] : memref<1000x128xf32, #tpu.memory_space<vmem>>, vector<1000x128xf32>
    tpu.vector_store %arg5[%swap3A, %swap3A_16], %mul3A_15 {strides = array<i32>} : memref<1000x128xf32, #tpu.memory_space<vmem>>, vector<1000x128xf32>,
    %swap3A_18 = arith.constant 0 : index
    %swap3A_19 = arith.constant 0 : index
    %swap3A_20 = vector.load %arg6[%swap3A_18, %swap3A_19] : memref<1000x1xf32, #tpu.memory_space<vmem>>, vector<1000x1xf32>
    tpu.vector_store %arg6[%swap3A_18, %swap3A_19], %rsqrt3A {strides = array<i32>} : memref<1000x1xf32, #tpu.memory_space<vmem>>, vector<1000x1xf32>,
    return
  }
  func.func @transform_0(%arg0: i32) -> (i32, i32) {
    %c0_i32 = arith.constant 0 : i32
    %c0_i32_0 = arith.constant 0 : i32
    return %arg0, %c0_i32 : i32, i32
  }
  func.func @transform_1(%arg0: i32) -> (i32, i32) {
    %c0_i32 = arith.constant 0 : i32
    %c0_i32_0 = arith.constant 0 : i32
    return %arg0, %c0_i32 : i32, i32
  }
  func.func @transform_2(%arg0: i32) -> (i32, i32) {
    %c0_i32 = arith.constant 0 : i32
    %c0_i32_0 = arith.constant 0 : i32
    return %arg0, %c0_i32 : i32, i32
  }
  func.func @transform_3(%arg0: i32) -> (i32, i32) {
    %c0_i32 = arith.constant 0 : i32
    %c0_i32_0 = arith.constant 0 : i32
    %c0_i32_1 = arith.constant 0 : i32
    return %c0_i32, %c0_i32_0 : i32, i32
  }
  func.func @transform_4(%arg0: i32) -> (i32, i32) {
    %c0_i32 = arith.constant 0 : i32
    %c0_i32_0 = arith.constant 0 : i32
    return %arg0, %c0_i32 : i32, i32
  }
  func.func @transform_5(%arg0: i32) -> (i32, i32) {
    %c0_i32 = arith.constant 0 : i32
    %c0_i32_0 = arith.constant 0 : i32
    return %arg0, %c0_i32 : i32, i32
  }
}

module attributes {stable_mosaic.version = 14 : i64} {
  func.func @tc_gcn_mid(%arg0: i32, %arg1: memref<1000x128xf32, #tpu.memory_space<vmem>>, %arg2: memref<1000x128xf32, #tpu.memory_space<vmem>>, %arg3: memref<1000x128xf32, #tpu.memory_space<vmem>>, %arg4: memref<1000x1xf32, #tpu.memory_space<vmem>>, %arg5: memref<1x128xf32, #tpu.memory_space<vmem>>, %arg6: memref<128x1xf32, #tpu.memory_space<vmem>>, %arg7: memref<1000x1xf32, #tpu.memory_space<vmem>>) attributes {dimension_semantics = [#tpu.dimension_semantics<arbitrary>], iteration_bounds = array<i64: 10>, scalar_prefetch = 0 : i64, scratch_operands = 0 : i64, tpu.core_type = #tpu.core_type<tc>, window_params = [{transform_indices = @transform_0, window_bounds = array<i64: 1000, 128>}, {transform_indices = @transform_1, window_bounds = array<i64: 1000, 128>}, {transform_indices = @transform_2, window_bounds = array<i64: 1000, 128>}, {transform_indices = @transform_3, window_bounds = array<i64: 1000, 1>}, {pipeline_mode = #tpu.pipeline_mode<synchronous>, transform_indices = @transform_4, window_bounds = array<i64: 1, 128>}, {pipeline_mode = #tpu.pipeline_mode<synchronous>, transform_indices = @transform_5, window_bounds = array<i64: 128, 1>}, {transform_indices = @transform_6, window_bounds = array<i64: 1000, 1>}]} {
    %get3A = arith.constant 0 : index
    %get3A_0 = arith.constant 0 : index
    %get3A_1 = vector.load %arg4[%get3A, %get3A_0] : memref<1000x1xf32, #tpu.memory_space<vmem>>, vector<1000x1xf32>
    %get3A_2 = arith.constant 0 : index
    %get3A_3 = arith.constant 0 : index
    %get3A_4 = vector.load %arg1[%get3A_2, %get3A_3] : memref<1000x128xf32, #tpu.memory_space<vmem>>, vector<1000x128xf32>
    %get3A_5 = arith.constant 0 : index
    %get3A_6 = arith.constant 0 : index
    %get3A_7 = vector.load %arg2[%get3A_5, %get3A_6] : memref<1000x128xf32, #tpu.memory_space<vmem>>, vector<1000x128xf32>
    %add3A = arith.addf %get3A_4, %get3A_7 : vector<1000x128xf32>
    %get3A_8 = arith.constant 0 : index
    %get3A_9 = arith.constant 0 : index
    %get3A_10 = vector.load %arg3[%get3A_8, %get3A_9] : memref<1000x128xf32, #tpu.memory_space<vmem>>, vector<1000x128xf32>
    %add3A_11 = arith.addf %add3A, %get3A_10 : vector<1000x128xf32>
    %mul3A = vector.broadcast %get3A_1 : vector<1000x1xf32> to vector<1000x128xf32>
    %mul3A_12 = arith.mulf %mul3A, %add3A_11 : vector<1000x128xf32>
    %get3A_13 = arith.constant 0 : index
    %get3A_14 = arith.constant 0 : index
    %get3A_15 = vector.load %arg5[%get3A_13, %get3A_14] : memref<1x128xf32, #tpu.memory_space<vmem>>, vector<1x128xf32>
    %add3A_16 = vector.broadcast %get3A_15 : vector<1x128xf32> to vector<1000x128xf32>
    %add3A_17 = arith.addf %mul3A_12, %add3A_16 : vector<1000x128xf32>
    %max3A = arith.constant 0.000000e+00 : f32
    %max3A_18 = vector.broadcast %max3A : f32 to vector<1000x128xf32>
    %max3A_19 = arith.maximumf %add3A_17, %max3A_18 : vector<1000x128xf32>
    %get3A_20 = arith.constant 0 : index
    %get3A_21 = arith.constant 0 : index
    %get3A_22 = vector.load %arg6[%get3A_20, %get3A_21] : memref<128x1xf32, #tpu.memory_space<vmem>>, vector<128x1xf32>
    %dot_general3A = arith.constant dense<0.000000e+00> : vector<1000x1xf32>
    %dot_general3A_23 = tpu.matmul %max3A_19, %get3A_22, %dot_general3A {dimension_numbers = #tpu.dot_dimension_numbers<[1], [0], [0], [1], [0, 0, 1, 1], [], []>, transpose_lhs_hint = false} : vector<1000x128xf32>, vector<128x1xf32>, vector<1000x1xf32> -> vector<1000x1xf32>
    %mul3A_24 = arith.mulf %dot_general3A_23, %get3A_1 : vector<1000x1xf32>
    %swap3A = arith.constant 0 : index
    %swap3A_25 = arith.constant 0 : index
    %swap3A_26 = vector.load %arg7[%swap3A, %swap3A_25] : memref<1000x1xf32, #tpu.memory_space<vmem>>, vector<1000x1xf32>
    tpu.vector_store %arg7[%swap3A, %swap3A_25], %mul3A_24 {strides = array<i32>} : memref<1000x1xf32, #tpu.memory_space<vmem>>, vector<1000x1xf32>,
    return
  }
  func.func @transform_0(%arg0: i32) -> (i32, i32) {
    %c0_i32 = arith.constant 0 : i32
    %c0_i32_0 = arith.constant 0 : i32
    return %arg0, %c0_i32 : i32, i32
  }
  func.func @transform_1(%arg0: i32) -> (i32, i32) {
    %c0_i32 = arith.constant 0 : i32
    %c0_i32_0 = arith.constant 0 : i32
    return %arg0, %c0_i32 : i32, i32
  }
  func.func @transform_2(%arg0: i32) -> (i32, i32) {
    %c0_i32 = arith.constant 0 : i32
    %c0_i32_0 = arith.constant 0 : i32
    return %arg0, %c0_i32 : i32, i32
  }
  func.func @transform_3(%arg0: i32) -> (i32, i32) {
    %c0_i32 = arith.constant 0 : i32
    %c0_i32_0 = arith.constant 0 : i32
    return %arg0, %c0_i32 : i32, i32
  }
  func.func @transform_4(%arg0: i32) -> (i32, i32) {
    %c0_i32 = arith.constant 0 : i32
    %c0_i32_0 = arith.constant 0 : i32
    %c0_i32_1 = arith.constant 0 : i32
    return %c0_i32, %c0_i32_0 : i32, i32
  }
  func.func @transform_5(%arg0: i32) -> (i32, i32) {
    %c0_i32 = arith.constant 0 : i32
    %c0_i32_0 = arith.constant 0 : i32
    %c0_i32_1 = arith.constant 0 : i32
    return %c0_i32, %c0_i32_0 : i32, i32
  }
  func.func @transform_6(%arg0: i32) -> (i32, i32) {
    %c0_i32 = arith.constant 0 : i32
    %c0_i32_0 = arith.constant 0 : i32
    return %arg0, %c0_i32 : i32, i32
  }
}

</mosaic_0001>

<sc_bundles>
// kernel: sc_gcn_degree.3.cloned.1.call-start
scs
__scs_entry_jumppad:
0x0: {  	(pc) =	sbr.rel $0x88, $3  }
0x1: {  	(tag) =	ssettag $0x0;
	lr =	simm.s32 $0x1  }
0x2: {  	[smem:$0x3F9B] =	sst lr;
	_ =	strace $0xD0000000  }
0x3: {  	_ = 	snop  }
0x4: {  	_ = 	snop  }
0x5: {  	_ = 	snop  }
0x6: {  	_ = 	snop  }
0x7: {  	_ = 	snop  }
__scs_overlays_trampoline_lowered:
0x8: {  	[smem:$0x3FAA] =	sst s0  }
0x9: {  	[smem:$0x3FAB] =	sst s1  }
0xa: {  	[smem:$0x3FAC] =	sst s2  }
0xb: {  	[smem:$0x3FAD] =	sst s3  }
0xc: {  	[smem:$0x3FAE] =	sst s4  }
0xd: {  	[smem:$0x3FAF] =	sst s5  }
0xe: {  	[smem:$0x3FB0] =	sst s6  }
0xf: {  	[smem:$0x3FB1] =	sst s7  }
0x10: {  	[smem:$0x3FB2] =	sst s8  }
0x11: {  	[smem:$0x3FB3] =	sst s9;
	s0 =	simm.s32 @!p0 $0x0  }
0x12: {  	s1 =	sld [smem:$0x3F99];
	s0 =	simm.s32 @p0 $0x1  }
0x13: {  	[smem:$0x3FB4] =	sst s0;
	s0 =	simm.s32 @!p1 $0x0  }
0x14: {  	s2 =	sld [smem:$0x3F98];
	s0 =	simm.s32 @p1 $0x1  }
0x15: {  	[smem:$0x3FB5] =	sst s0;
	s0 =	simm.s32 @!p2 $0x0  }
0x16: {  	s3 =	sld [smem:$0x3FDB];
	s0 =	simm.s32 @p2 $0x1  }
0x17: {  	s4 =	simm.s32 $0x1BF5;
	[smem:$0x3FB7] =	sst s0  }
0x18: {  	s0 =	sld [smem:$0x3F9A];
	_ =	swait.ge [sflag:s4], $0x0  }
0x19: {  	s7 =	sld [smem:$0x3F9B]  }
0x1a: {  	s8 =	sadd.s32 $0xFFFFE003, lr  }
0x1b: {  	s9 =	sadd.s32 $0xFFFFFEF7, lr;
	s5 =	simm.s32 $0xFFFFFFFF;
	p2 =	slt.u32 s8, $0xFFFFF086  }
0x1c: {  	p1 =	slt.u32 s9, $0xF7A;
	s5 =	simm.s32 @!p2 $0x0  }
0x1d: {  	s5 =	simm.s32 @p1 $0x1;
	p0 =	seq.s32 s7, s2  }
0x1e: {  	s7 =	smul.u32 @!p0 $0xF7A, s2;
	p2 =	seq.s32 @!p0 s5, $0x0  }
0x1f: {  	s9 =	smul.u32 $0xF7A, s1;
	s8 =	simm.s32 @!p0 $0x1BF5;
	p2 =	por !p2, p0  }
0x20: {  	[sflag:s8] =	ssyncset.s32 @!p0 $0xFFFFF086;
	s6 =	sadd.s32 @!p0 s3, s7;
	s7 =	simm.s32 @!p0 $0x108  }
0x21: {  	s3 =	sadd.s32 s3, s9;
	s6 =	sadd.s32 @!p0 $0x88, s6;
	s7 =	simm.s32 @p2 $0x1082  }
0x22: {  	[simem:s7], [sflag:s8] =	dma.local @!p0 [hbm:s6], $0xF7A  }
0x23: {  	s9 =	sor.u32 $0xD0000000, s2;
	s6 =	simm.s32 $0x108;
	_ =	swait.ge @!p0 [sflag:s8], $0x0  }
0x24: {  	s3 =	sadd.s32 $0x88, s3;
	s6 =	simm.s32 @!p1 $0x1082;
	[sflag:s4] =	ssyncset.s32 $0xFFFFF086  }
0x25: {  	[simem:s6], [sflag:s4] =	dma.local [hbm:s3], $0xF7A  }
0x26: {  	[smem:$0x3F9B] =	sst s1;
	(tag) =	ssettag s2;
	_ =	strace s9  }
0x27: {  	s1 =	sld [smem:$0x3FAB]  }
0x28: {  	s2 =	sld [smem:$0x3FAC]  }
0x29: {  	s4 =	sld [smem:$0x3FAE]  }
0x2a: {  	p0 =	seq.s32 s5, $0x0;
	s5 =	sld [smem:$0x3FAF]  }
0x2b: {  	s6 =	sld [smem:$0x3FB0]  }
0x2c: {  	s7 =	sld [smem:$0x3FB1]  }
0x2d: {  	s3 =	simm.s32 $0x108;
	s8 =	sld [smem:$0x3FB2]  }
0x2e: {  	s3 =	simm.s32 @!p0 $0x1082;
	s9 =	sld [smem:$0x3FB3]  }
0x2f: {  	lr =	sadd.s32 s0, s3;
	s0 =	sld [smem:$0x3FAA]  }
0x30: {  	s3 =	sld [smem:$0x3FAD]  }
0x31: {  	[smem:$0x3FB6] =	sst s10  }
0x32: {  	s10 =	sld [smem:$0x3FB4];
	_ =	sdelay $0x3  }
0x33: {  	p0 =	seq.s32 s10, $0x1;
	s10 =	sld [smem:$0x3FB6];
	_ =	sdelay $0x3  }
0x34: {  	[smem:$0x3FB6] =	sst s10  }
0x35: {  	s10 =	sld [smem:$0x3FB5];
	_ =	sdelay $0x3  }
0x36: {  	p1 =	seq.s32 s10, $0x1;
	s10 =	sld [smem:$0x3FB6];
	_ =	sdelay $0x3  }
0x37: {  	[smem:$0x3FB6] =	sst s10  }
0x38: {  	s10 =	sld [smem:$0x3FB7]  }
0x39: {  	_ = 	snop;
	(pc) =	sbr.ind lr, $3  }
0x3a: {  	_ = 	snop  }
0x3b: {  	_ = 	snop  }
0x3c: {  	p2 =	seq.s32 s10, $0x1;
	s10 =	sld [smem:$0x3FB6]  }
0x3d: {  	_ =	shalt  }
0x3e: {  	_ =	shalt  }
0x3f: {  	_ =	shalt  }
0x40: {  	_ =	shalt  }
0x41: {  	_ =	shalt  }
0x42: {  	_ =	shalt  }
0x43: {  	_ =	shalt  }
0x44: {  	_ =	shalt  }
0x45: {  	_ =	shalt  }
0x46: {  	_ =	shalt  }
0x47: {  	_ =	shalt  }
0x48: {  	_ =	shalt  }
0x49: {  	_ =	shalt  }
0x4a: {  	_ =	shalt  }
0x4b: {  	_ =	shalt  }
0x4c: {  	_ =	shalt  }
0x4d: {  	_ =	shalt  }
0x4e: {  	_ =	shalt  }
0x4f: {  	_ =	shalt  }
0x50: {  	_ =	shalt  }
0x51: {  	_ =	shalt  }
0x52: {  	_ =	shalt  }
0x53: {  	_ =	shalt  }
0x54: {  	_ =	shalt  }
0x55: {  	_ =	shalt  }
0x56: {  	_ =	shalt  }
0x57: {  	_ =	shalt  }
0x58: {  	_ =	shalt  }
0x59: {  	_ =	shalt  }
0x5a: {  	_ =	shalt  }
0x5b: {  	_ =	shalt  }
0x5c: {  	_ =	shalt  }
0x5d: {  	_ =	shalt  }
0x5e: {  	_ =	shalt  }
0x5f: {  	_ =	shalt  }
0x60: {  	_ =	shalt  }
0x61: {  	_ =	shalt  }
0x62: {  	_ =	shalt  }
0x63: {  	_ =	shalt  }
0x64: {  	_ =	shalt  }
0x65: {  	_ =	shalt  }
0x66: {  	_ =	shalt  }
0x67: {  	_ =	shalt  }
0x68: {  	_ =	shalt  }
0x69: {  	_ =	shalt  }
0x6a: {  	_ =	shalt  }
0x6b: {  	_ =	shalt  }
0x6c: {  	_ =	shalt  }
0x6d: {  	_ =	shalt  }
0x6e: {  	_ =	shalt  }
0x6f: {  	_ =	shalt  }
0x70: {  	_ =	shalt  }
0x71: {  	_ =	shalt  }
0x72: {  	_ =	shalt  }
0x73: {  	_ =	shalt  }
0x74: {  	_ =	shalt  }
0x75: {  	_ =	shalt  }
0x76: {  	_ =	shalt  }
0x77: {  	_ =	shalt  }
0x78: {  	_ =	shalt  }
0x79: {  	_ =	shalt  }
0x7a: {  	_ =	shalt  }
0x7b: {  	_ =	shalt  }
0x7c: {  	_ =	shalt  }
0x7d: {  	_ =	shalt  }
0x7e: {  	_ =	shalt  }
0x7f: {  	_ =	shalt  }
0x80: {  	_ =	shalt  }
0x81: {  	_ =	shalt  }
0x82: {  	_ =	shalt  }
0x83: {  	_ =	shalt  }
0x84: {  	_ =	shalt  }
0x85: {  	_ =	shalt  }
0x86: {  	_ =	shalt  }
0x87: {  	_ =	shalt  }
.Lfunc_end0:
.L_simem_size_0:
called_computation_lowered:
.L_overlay_start_0:
0x88: {  	s2 =	sld [smem:$0x3FD9]  }
0x89: {  	s3 =	sld [smem:$0x3FFE];
	_ =	sdelay $0x1  }
0x8a: {  	s1 =	srdreg.scid  }
0x8b: {  	s0 =	sand.u32 $0x1, s1  }
0x8c: {  	s16 =	sshll.u32 s0, $0xA;
	s2 =	sadd.s32 s3, s2  }
0x8d: {  	s2 =	sadd.s32 s2, s16  }
0x8e: {  	[smem:$0x3FC2] =	sst s2  }
0x8f: {  	_ = 	snop  }
0x90: {  	(tm) =	ssettm $0x1  }
0x91: {  	s17 =	sld [smem:$0x3FFB];
	_ =	sdelay $0x3  }
0x92: {  	_ =	strace s17  }
0x93: {  	s2 =	sld [smem:$0x3FFC];
	_ =	sdelay $0x3  }
0x94: {  	_ =	strace s2  }
0x95: {  	s2 =	sld [smem:$0x3FFD];
	_ =	sdelay $0x3  }
0x96: {  	_ =	strace s2  }
0x97: {  	_ =	strace $0x8FFFFFFF  }
0x98: {  	s18 =	sld [smem:$0x3FDB];
	_ =	sdelay $0x1  }
0x99: {  	s19 =	simm.s32 $_scs_section_size  }
0x9a: {  	s4 =	simm.s32 $_size__tile_overlayer_lowered;
	s5 =	simm.s32 $_tile_overlayer_lowered  }
0x9b: {  	s22 =	simm.s32 $0x1BFF;
	s21 =	sshll.u32 s5, $0x1;
	s2 =	sadd.s32 s19, s18  }
0x9c: {  	s6 =	simm.s32 $0x0;
	s20 =	sshll.u32 s4, $0x1;
	s4 =	sadd.s32 s21, s2  }
0x9d: {  	[timem:s6], [sflag:s22] =	dma.local [hbm:s4], s20  }
0x9e: {  	_ =	swait.ge [sflag:s22], s20  }
0x9f: {  	s3 =	ssub.s32 $0x0, s20;
	[sflag:s22] =	ssyncset.done $0x0  }
0xa0: {  	[sflag:s22] =	ssyncadd.s32 s3;
	_ =	sdelay $0x1  }
0xa1: {  	s23 =	simm.s32 $0x1B8B  }
0xa2: {  	_ =	swait.ge [sflag:s23], $0x1  }
0xa3: {  	[sflag:s23] =	ssyncset.done $0x0  }
0xa4: {  	s25 =	simm.s32 $0x1B8E;
	s24 =	sld [smem:$0x3FFE];
	[sflag:s23] =	ssyncadd.s32 $0xFFFFFFFF  }
0xa5: {  	s26 =	simm.s32 $execute0_lowered;
	[smem:$0x3FD2] =	sst s25  }
0xa6: {  	s4 =	sshll.u32 s26, $0x1;
	_ =	strace $0x80000046;
	[dreg:$0x1] =	wrdreg $0xFFFFFFFF  }
0xa7: {  	s28 =	simm.s32 $_size_execute0_lowered;
	s2 =	sadd.s32 s2, s4;
	[dreg:$0x0] =	wrdreg $0x0  }
0xa8: {  	s4 =	sshll.u32 s28, $0x1;
	[dreg:$0x2] =	wrdreg s2  }
0xa9: {  	[dreg:$0x3] =	wrdreg s4  }
0xaa: {  	[dreg:$0x4] =	wrdreg $0xC0  }
0xab: {  	_ =	task [dreg:s6], $0x5FFFF  }
0xac: {  	[dreg:$0x1] =	wrdreg $0xFFFFFFFF  }
0xad: {  	[dreg:$0x0] =	wrdreg $0x60  }
0xae: {  	[dreg:$0x2] =	wrdreg s24  }
0xaf: {  	[dreg:$0x3] =	wrdreg $0x10000  }
0xb0: {  	[dreg:$0x4] =	wrdreg $0x9  }
0xb1: {  	_ =	task.clear_ibuf [dreg:s6], $0x5FFFF;
	_ =	strace $0x90000046  }
0xb2: {  	s29 =	simm.s32 $0x9;
	_ =	strace $0x80000048  }
0xb3: {  	_ =	swait.ge [sflag:s29], $0x1  }
0xb4: {  	[sflag:s29] =	ssyncadd.s32 $0xFFFFFFFF  }
0xb5: {  	_ =	strace $0x90000048  }
0xb6: {  	_ =	sfence  }
0xb7: {  	s30 =	sld [smem:$0x0];
	_ =	sdelay $0x2  }
0xb8: {  	s31 =	sshll.u32 s1, $0xD;
	s1 =	sshrl.u32 s1, $0x2  }
0xb9: {  	s3 =	sand.u32 $0x4000, s31;
	s1 =	sadd.s32 s1, s30  }
0xba: {  	s0 =	sor.u32 s3, s0;
	s1 =	sshll.u32 s1, $0x11  }
0xbb: {  	s0 =	sor.u32 s1, s0  }
0xbc: {  	s0 =	sadd.s32 $0x8F2B, s0  }
0xbd: {  	[sflag:s0] =	ssyncadd.remote.s32 $0x1  }
0xbe: {  	_ =	sfence.sel $0xFFFF  }
0xbf: {  	[dreg:$0x0] =	wrdreg $0xFFFFFFFF;
	(pc) =	sbr.abs _section_cstart, $3  }
0xc0: {  	[dreg:$0x1] =	wrdreg $0xFFFFFFFF  }
0xc1: {  	_ =	task.clear_ibuf [dreg:s6], $0x2FFFF;
	_ =	strace $0x9FFFFFFF  }
0xc2: {  	(tm) =	ssettm $0x7FFFFFFF  }
0xc3: {  	_ =	shalt  }
tec
execute0_lowered:
.L_overlay_start_1:
0x0: {  	(tag) =	ssettag $0x1  }
0x1: {  	s5 =	rddreg [dreg:$0x0]  }
0x2: {  	s0 =	srdreg.scid;
	s2 =	rddreg [dreg:$0x1];
	s3 =	simm.s32 $0x0  }
0x3: {  	s14 =	simm.s32 $0x1;
	s15 =	simm.s32 $0x7D0;
	s16 =	simm.s32 $0x800  }
0x4: {  	s17 =	simm.s32 $0x0;
	s4 =	sand.u32 $0x1, s0;
	s0 =	stileid.u32  }
0x5: {  	[smem:$0x7FF] =	sst s3;
	s1 =	sshll.u32 s4, $0x4;
	s7 =	smul.u32 $0x280, s0  }
0x6: {  	s8 =	smul.u32 $0x2800, s4;
	s4 =	ssub.s32 $0x2, s4;
	s1 =	sor.u32 s0, s1  }
0x7: {  	s31 =	sshll.u32 s0, $0x6;
	s9 =	sshrl.u32 s4, $0x1;
	s6 =	smul.u32 $0x2710, s1  }
0x8: {  	s1 =	rddreg [dreg:$0x2];
	_ =	strace $0x80000047;
	s30 =	sshrl.u32 s7, $0x3  }
0x9: {  	s8 =	sadd.s32 s7, s8;
	s9 =	ssub.s32 s4, s9;
	s13 =	sadd.s32 s7, s2  }
0xa: {  	s8 =	sshrl.u32 s8, $0x3;
	s13 =	sshrl.u32 s13, $0x3;
	s6 =	sshrl.u32 s6, $0x3  }
0xb: {  	s8 =	sadd.s32 s8, s5;
	s12 =	sadd.s32 s6, s5;
	s6 =	sadd.s32 s30, s5  }
0xc: {  	s5 =	sor.u32 $0x1C01, s31;
	s4 =	sadd.s32 $0x14C00, s6;
	s6 =	sadd.s32 $0x15200, s8  }
0xd: {  	s7 =	sadd.s32 $0x1000, s12;
	s8 =	smax.u32 s9, $0x1;
	s9 =	sadd.s32 $0x10FA, s12  }
0xe: {  	v0 =	vimm.f32 $1.000000000e+00;
	s10 =	sadd.s32 $0x11F4, s12;
	s11 =	sadd.s32 $0x12EE, s12;
	s12 =	sadd.s32 $0x13E8, s12  }
.LBB2_1:
0xf: {  	s18 =	simm.s32 $0x40;
	s19 =	simm.s32 $0x0  }
.LBB2_2:
0x10: {  	p0 =	sne.s32 s18, $0x1F00;
	[tilespmem:s19+$0x800] =	vst v0;
	s19 =	smov.u32 s18;
	s18 =	sadd.s32 $0x40, s18  }
.Ltmp0:
0x11: {  	(pc) =	sbr.rel @p0 .LBB2_2-.Ltmp0, $2  }
0x12: {  	_ =	sdelay $0x2  }
0x13: {  	s19 =	sshra.s32 s19, $0x2  }
0x14: {  	[tilespmem:s19+$0x800] =	vst v0  }
0x15: {  	[spmem:s13], [sflag:s5] =	dma.local [hbm:s4], $0x50  }
0x16: {  	_ =	swait.ge [sflag:s14], $0x50  }
0x17: {  	[sflag:s14] =	ssyncset.done $0x0  }
0x18: {  	[sflag:s14] =	ssyncadd.s32 $0xFFFFFFB0  }
0x19: {  	[bflag:$0x0] =	sbarrier.arrive $0xFFFF  }
0x1a: {  	[tilespmem:s3], [sflag:$0x1] =	stream.linear.gather [hbm4b:s7+s3], $0x7D0, $0x38;
	[tilespmem:$0x1280] =	vst v63  }
0x1b: {  	_ =	swait.ge [sflag:s14], $0x7D0  }
0x1c: {  	[sflag:s14] =	ssyncset.done $0x0  }
0x1d: {  	[sflag:s14] =	ssyncadd.s32 $0xFFFFF830  }
0x1e: {  	[spmem:s2] =	stream.indirect.scatter.add.f32 [tilespmem:s16], [sflag:$0x1], $0x1, s3, s15, $0xb8;
	[tilespmem:$0x1280] =	vst v63  }
0x1f: {  	_ =	swait.ge [sflag:s14], $0x7D0  }
0x20: {  	[sflag:s14] =	ssyncset.done $0x0  }
0x21: {  	[sflag:s14] =	ssyncadd.s32 $0xFFFFF830  }
0x22: {  	[tilespmem:s3], [sflag:$0x1] =	stream.linear.gather [hbm4b:s9+s3], $0x7D0, $0x38;
	[tilespmem:$0x1280] =	vst v63  }
0x23: {  	_ =	swait.ge [sflag:s14], $0x7D0  }
0x24: {  	[sflag:s14] =	ssyncset.done $0x0  }
0x25: {  	[sflag:s14] =	ssyncadd.s32 $0xFFFFF830  }
0x26: {  	[spmem:s2] =	stream.indirect.scatter.add.f32 [tilespmem:s16], [sflag:$0x1], $0x1, s3, s15, $0xb8;
	[tilespmem:$0x1280] =	vst v63  }
0x27: {  	_ =	swait.ge [sflag:s14], $0x7D0  }
0x28: {  	[sflag:s14] =	ssyncset.done $0x0  }
0x29: {  	[sflag:s14] =	ssyncadd.s32 $0xFFFFF830  }
0x2a: {  	[tilespmem:s3], [sflag:$0x1] =	stream.linear.gather [hbm4b:s10+s3], $0x7D0, $0x38;
	[tilespmem:$0x1280] =	vst v63  }
0x2b: {  	_ =	swait.ge [sflag:s14], $0x7D0  }
0x2c: {  	[sflag:s14] =	ssyncset.done $0x0  }
0x2d: {  	[sflag:s14] =	ssyncadd.s32 $0xFFFFF830  }
0x2e: {  	[spmem:s2] =	stream.indirect.scatter.add.f32 [tilespmem:s16], [sflag:$0x1], $0x1, s3, s15, $0xb8;
	[tilespmem:$0x1280] =	vst v63  }
0x2f: {  	_ =	swait.ge [sflag:s14], $0x7D0  }
0x30: {  	[sflag:s14] =	ssyncset.done $0x0  }
0x31: {  	[sflag:s14] =	ssyncadd.s32 $0xFFFFF830  }
0x32: {  	[tilespmem:s3], [sflag:$0x1] =	stream.linear.gather [hbm4b:s11+s3], $0x7D0, $0x38;
	[tilespmem:$0x1280] =	vst v63  }
0x33: {  	_ =	swait.ge [sflag:s14], $0x7D0  }
0x34: {  	[sflag:s14] =	ssyncset.done $0x0  }
0x35: {  	[sflag:s14] =	ssyncadd.s32 $0xFFFFF830  }
0x36: {  	[spmem:s2] =	stream.indirect.scatter.add.f32 [tilespmem:s16], [sflag:$0x1], $0x1, s3, s15, $0xb8;
	[tilespmem:$0x1280] =	vst v63  }
0x37: {  	_ =	swait.ge [sflag:s14], $0x7D0  }
0x38: {  	[sflag:s14] =	ssyncset.done $0x0  }
0x39: {  	[sflag:s14] =	ssyncadd.s32 $0xFFFFF830  }
0x3a: {  	[tilespmem:s3], [sflag:$0x1] =	stream.linear.gather [hbm4b:s12+s3], $0x7D0, $0x38;
	[tilespmem:$0x1280] =	vst v63  }
0x3b: {  	_ =	swait.ge [sflag:s14], $0x7D0  }
0x3c: {  	[sflag:s14] =	ssyncset.done $0x0  }
0x3d: {  	[sflag:s14] =	ssyncadd.s32 $0xFFFFF830  }
0x3e: {  	[spmem:s2] =	stream.indirect.scatter.add.f32 [tilespmem:s16], [sflag:$0x1], $0x1, s3, s15, $0xb8;
	[tilespmem:$0x1280] =	vst v63  }
0x3f: {  	_ =	swait.ge [sflag:s14], $0x7D0  }
0x40: {  	s17 =	sadd.s32 $0x1, s17;
	[sflag:s14] =	ssyncset.done $0x0  }
0x41: {  	p0 =	sne.s32 s17, s8;
	[sflag:s14] =	ssyncadd.s32 $0xFFFFF830  }
.Ltmp1:
0x42: {  	[bflag:$0x0] =	sbarrier.arrive $0xFFFF;
	(pc) =	sbr.rel @p0 .LBB2_1-.Ltmp1, $4  }
0x43: {  	[hbm:s6], [sflag:s5] =	dma.local [spmem:s13], $0x50  }
0x44: {  	_ =	swait.ge [sflag:s14], $0x50  }
0x45: {  	[sflag:s14] =	ssyncset.done $0x0  }
0x46: {  	[sflag:s14] =	ssyncadd.s32 $0xFFFFFFB0  }
0x47: {  	_ =	sfence.sel $0x180000  }
0x48: {  	[bflag:$0x0] =	sbarrier.arrive $0xFFFF  }
0x49: {  	p0 =	sne.s32 s0, $0x0;
	_ =	strace $0x90000047  }
0x4a: {  	s0 =	sadd.s32 @!p0 $0x100000, s1;
	[bflag:$0x2] =	sbarrier.arrive $0xFFFF  }
0x4b: {  	[sflag:s0] =	ssyncadd.tile.s32 @!p0 $0x1;
	_ =	shalt  }
.Lfunc_end2:
_tile_overlayer_lowered:
.L_overlay_start_2:
0x4c: {  	(tag) =	ssettag $0x2  }
0x4d: {  	s0 =	rddreg [dreg:$0x0];
	s2 =	stileid.u32  }
0x4e: {  	s1 =	rddreg [dreg:$0x1];
	p0 =	sne.s32 s2, $0x0  }
0x4f: {  	s3 =	rddreg [dreg:$0x2];
	[bflag:$0x3] =	sbarrier.arrive $0xFFFF;
	s2 =	simm.s32 @!p0 $0x1C01  }
0x50: {  	[timem:s3], [sflag:s2] =	dma.local @!p0 [hbm:s0], s1  }
0x51: {  	s0 =	simm.s32 @!p0 $0x1  }
0x52: {  	_ =	swait.ge @!p0 [sflag:s0], s1  }
0x53: {  	s1 =	ssub.s32 @!p0 $0x0, s1;
	[sflag:s0] =	ssyncset.done @!p0 $0x0  }
0x54: {  	[sflag:s0] =	ssyncadd.s32 @!p0 s1  }
0x55: {  	[bflag:$0x3] =	sbarrier.arrive $0xFFFF  }
0x56: {  	_ =	shalt  }

// kernel: sc_gcn_edge_agg.3.cloned.1.call-start
scs
__scs_entry_jumppad:
0x0: {  	(pc) =	sbr.rel $0x88, $3  }
0x1: {  	(tag) =	ssettag $0x0;
	lr =	simm.s32 $0x1  }
0x2: {  	[smem:$0x3F9B] =	sst lr;
	_ =	strace $0xD0000000  }
0x3: {  	_ = 	snop  }
0x4: {  	_ = 	snop  }
0x5: {  	_ = 	snop  }
0x6: {  	_ = 	snop  }
0x7: {  	_ = 	snop  }
__scs_overlays_trampoline_lowered:
0x8: {  	[smem:$0x3FAA] =	sst s0  }
0x9: {  	[smem:$0x3FAB] =	sst s1  }
0xa: {  	[smem:$0x3FAC] =	sst s2  }
0xb: {  	[smem:$0x3FAD] =	sst s3  }
0xc: {  	[smem:$0x3FAE] =	sst s4  }
0xd: {  	[smem:$0x3FAF] =	sst s5  }
0xe: {  	[smem:$0x3FB0] =	sst s6  }
0xf: {  	[smem:$0x3FB1] =	sst s7  }
0x10: {  	[smem:$0x3FB2] =	sst s8  }
0x11: {  	[smem:$0x3FB3] =	sst s9;
	s0 =	simm.s32 @!p0 $0x0  }
0x12: {  	s1 =	sld [smem:$0x3F99];
	s0 =	simm.s32 @p0 $0x1  }
0x13: {  	[smem:$0x3FB4] =	sst s0;
	s0 =	simm.s32 @!p1 $0x0  }
0x14: {  	s2 =	sld [smem:$0x3F98];
	s0 =	simm.s32 @p1 $0x1  }
0x15: {  	[smem:$0x3FB5] =	sst s0;
	s0 =	simm.s32 @!p2 $0x0  }
0x16: {  	s3 =	sld [smem:$0x3FDB];
	s0 =	simm.s32 @p2 $0x1  }
0x17: {  	s4 =	simm.s32 $0x1BF5;
	[smem:$0x3FB7] =	sst s0  }
0x18: {  	s0 =	sld [smem:$0x3F9A];
	_ =	swait.ge [sflag:s4], $0x0  }
0x19: {  	s7 =	sld [smem:$0x3F9B]  }
0x1a: {  	s8 =	sadd.s32 $0xFFFFE003, lr  }
0x1b: {  	s9 =	sadd.s32 $0xFFFFFEF7, lr;
	s5 =	simm.s32 $0xFFFFFFFF;
	p2 =	slt.u32 s8, $0xFFFFF086  }
0x1c: {  	p1 =	slt.u32 s9, $0xF7A;
	s5 =	simm.s32 @!p2 $0x0  }
0x1d: {  	s5 =	simm.s32 @p1 $0x1;
	p0 =	seq.s32 s7, s2  }
0x1e: {  	s7 =	smul.u32 @!p0 $0xF7A, s2;
	p2 =	seq.s32 @!p0 s5, $0x0  }
0x1f: {  	s9 =	smul.u32 $0xF7A, s1;
	s8 =	simm.s32 @!p0 $0x1BF5;
	p2 =	por !p2, p0  }
0x20: {  	[sflag:s8] =	ssyncset.s32 @!p0 $0xFFFFF086;
	s6 =	sadd.s32 @!p0 s3, s7;
	s7 =	simm.s32 @!p0 $0x108  }
0x21: {  	s3 =	sadd.s32 s3, s9;
	s6 =	sadd.s32 @!p0 $0x88, s6;
	s7 =	simm.s32 @p2 $0x1082  }
0x22: {  	[simem:s7], [sflag:s8] =	dma.local @!p0 [hbm:s6], $0xF7A  }
0x23: {  	s9 =	sor.u32 $0xD0000000, s2;
	s6 =	simm.s32 $0x108;
	_ =	swait.ge @!p0 [sflag:s8], $0x0  }
0x24: {  	s3 =	sadd.s32 $0x88, s3;
	s6 =	simm.s32 @!p1 $0x1082;
	[sflag:s4] =	ssyncset.s32 $0xFFFFF086  }
0x25: {  	[simem:s6], [sflag:s4] =	dma.local [hbm:s3], $0xF7A  }
0x26: {  	[smem:$0x3F9B] =	sst s1;
	(tag) =	ssettag s2;
	_ =	strace s9  }
0x27: {  	s1 =	sld [smem:$0x3FAB]  }
0x28: {  	s2 =	sld [smem:$0x3FAC]  }
0x29: {  	s4 =	sld [smem:$0x3FAE]  }
0x2a: {  	p0 =	seq.s32 s5, $0x0;
	s5 =	sld [smem:$0x3FAF]  }
0x2b: {  	s6 =	sld [smem:$0x3FB0]  }
0x2c: {  	s7 =	sld [smem:$0x3FB1]  }
0x2d: {  	s3 =	simm.s32 $0x108;
	s8 =	sld [smem:$0x3FB2]  }
0x2e: {  	s3 =	simm.s32 @!p0 $0x1082;
	s9 =	sld [smem:$0x3FB3]  }
0x2f: {  	lr =	sadd.s32 s0, s3;
	s0 =	sld [smem:$0x3FAA]  }
0x30: {  	s3 =	sld [smem:$0x3FAD]  }
0x31: {  	[smem:$0x3FB6] =	sst s10  }
0x32: {  	s10 =	sld [smem:$0x3FB4];
	_ =	sdelay $0x3  }
0x33: {  	p0 =	seq.s32 s10, $0x1;
	s10 =	sld [smem:$0x3FB6];
	_ =	sdelay $0x3  }
0x34: {  	[smem:$0x3FB6] =	sst s10  }
0x35: {  	s10 =	sld [smem:$0x3FB5];
	_ =	sdelay $0x3  }
0x36: {  	p1 =	seq.s32 s10, $0x1;
	s10 =	sld [smem:$0x3FB6];
	_ =	sdelay $0x3  }
0x37: {  	[smem:$0x3FB6] =	sst s10  }
0x38: {  	s10 =	sld [smem:$0x3FB7]  }
0x39: {  	_ = 	snop;
	(pc) =	sbr.ind lr, $3  }
0x3a: {  	_ = 	snop  }
0x3b: {  	_ = 	snop  }
0x3c: {  	p2 =	seq.s32 s10, $0x1;
	s10 =	sld [smem:$0x3FB6]  }
0x3d: {  	_ =	shalt  }
0x3e: {  	_ =	shalt  }
0x3f: {  	_ =	shalt  }
0x40: {  	_ =	shalt  }
0x41: {  	_ =	shalt  }
0x42: {  	_ =	shalt  }
0x43: {  	_ =	shalt  }
0x44: {  	_ =	shalt  }
0x45: {  	_ =	shalt  }
0x46: {  	_ =	shalt  }
0x47: {  	_ =	shalt  }
0x48: {  	_ =	shalt  }
0x49: {  	_ =	shalt  }
0x4a: {  	_ =	shalt  }
0x4b: {  	_ =	shalt  }
0x4c: {  	_ =	shalt  }
0x4d: {  	_ =	shalt  }
0x4e: {  	_ =	shalt  }
0x4f: {  	_ =	shalt  }
0x50: {  	_ =	shalt  }
0x51: {  	_ =	shalt  }
0x52: {  	_ =	shalt  }
0x53: {  	_ =	shalt  }
0x54: {  	_ =	shalt  }
0x55: {  	_ =	shalt  }
0x56: {  	_ =	shalt  }
0x57: {  	_ =	shalt  }
0x58: {  	_ =	shalt  }
0x59: {  	_ =	shalt  }
0x5a: {  	_ =	shalt  }
0x5b: {  	_ =	shalt  }
0x5c: {  	_ =	shalt  }
0x5d: {  	_ =	shalt  }
0x5e: {  	_ =	shalt  }
0x5f: {  	_ =	shalt  }
0x60: {  	_ =	shalt  }
0x61: {  	_ =	shalt  }
0x62: {  	_ =	shalt  }
0x63: {  	_ =	shalt  }
0x64: {  	_ =	shalt  }
0x65: {  	_ =	shalt  }
0x66: {  	_ =	shalt  }
0x67: {  	_ =	shalt  }
0x68: {  	_ =	shalt  }
0x69: {  	_ =	shalt  }
0x6a: {  	_ =	shalt  }
0x6b: {  	_ =	shalt  }
0x6c: {  	_ =	shalt  }
0x6d: {  	_ =	shalt  }
0x6e: {  	_ =	shalt  }
0x6f: {  	_ =	shalt  }
0x70: {  	_ =	shalt  }
0x71: {  	_ =	shalt  }
0x72: {  	_ =	shalt  }
0x73: {  	_ =	shalt  }
0x74: {  	_ =	shalt  }
0x75: {  	_ =	shalt  }
0x76: {  	_ =	shalt  }
0x77: {  	_ =	shalt  }
0x78: {  	_ =	shalt  }
0x79: {  	_ =	shalt  }
0x7a: {  	_ =	shalt  }
0x7b: {  	_ =	shalt  }
0x7c: {  	_ =	shalt  }
0x7d: {  	_ =	shalt  }
0x7e: {  	_ =	shalt  }
0x7f: {  	_ =	shalt  }
0x80: {  	_ =	shalt  }
0x81: {  	_ =	shalt  }
0x82: {  	_ =	shalt  }
0x83: {  	_ =	shalt  }
0x84: {  	_ =	shalt  }
0x85: {  	_ =	shalt  }
0x86: {  	_ =	shalt  }
0x87: {  	_ =	shalt  }
.Lfunc_end0:
.L_simem_size_0:
called_computation.1_lowered:
.L_overlay_start_0:
0x88: {  	s2 =	sld [smem:$0x3FD9]  }
0x89: {  	s3 =	sld [smem:$0x3FFE];
	_ =	sdelay $0x1  }
0x8a: {  	s1 =	srdreg.scid  }
0x8b: {  	s0 =	sand.u32 $0x1, s1  }
0x8c: {  	s16 =	sshll.u32 s0, $0xA;
	s2 =	sadd.s32 s3, s2  }
0x8d: {  	s2 =	sadd.s32 s2, s16  }
0x8e: {  	[smem:$0x3FC2] =	sst s2  }
0x8f: {  	_ = 	snop  }
0x90: {  	(tm) =	ssettm $0x1  }
0x91: {  	s17 =	sld [smem:$0x3FFB];
	_ =	sdelay $0x3  }
0x92: {  	_ =	strace s17  }
0x93: {  	s2 =	sld [smem:$0x3FFC];
	_ =	sdelay $0x3  }
0x94: {  	_ =	strace s2  }
0x95: {  	s2 =	sld [smem:$0x3FFD];
	_ =	sdelay $0x3  }
0x96: {  	_ =	strace s2  }
0x97: {  	_ =	strace $0x8FFFFFFF  }
0x98: {  	s18 =	sld [smem:$0x3FDB];
	_ =	sdelay $0x1  }
0x99: {  	s19 =	simm.s32 $_scs_section_size  }
0x9a: {  	s4 =	simm.s32 $_size__tile_overlayer_lowered;
	s5 =	simm.s32 $_tile_overlayer_lowered  }
0x9b: {  	s22 =	simm.s32 $0x1BFF;
	s21 =	sshll.u32 s5, $0x1;
	s2 =	sadd.s32 s19, s18  }
0x9c: {  	s6 =	simm.s32 $0x0;
	s20 =	sshll.u32 s4, $0x1;
	s4 =	sadd.s32 s21, s2  }
0x9d: {  	[timem:s6], [sflag:s22] =	dma.local [hbm:s4], s20  }
0x9e: {  	_ =	swait.ge [sflag:s22], s20  }
0x9f: {  	s3 =	ssub.s32 $0x0, s20;
	[sflag:s22] =	ssyncset.done $0x0  }
0xa0: {  	[sflag:s22] =	ssyncadd.s32 s3;
	_ =	sdelay $0x1  }
0xa1: {  	s23 =	simm.s32 $0x1B8B  }
0xa2: {  	_ =	swait.ge [sflag:s23], $0x1  }
0xa3: {  	[sflag:s23] =	ssyncset.done $0x0  }
0xa4: {  	s25 =	simm.s32 $0x1B8E;
	s24 =	sld [smem:$0x3FFE];
	[sflag:s23] =	ssyncadd.s32 $0xFFFFFFFF  }
0xa5: {  	s26 =	simm.s32 $execute0_lowered;
	[smem:$0x3FD2] =	sst s25  }
0xa6: {  	s4 =	sshll.u32 s26, $0x1;
	_ =	strace $0x80000049;
	[dreg:$0x1] =	wrdreg $0xFFFFFFFF  }
0xa7: {  	s28 =	simm.s32 $_size_execute0_lowered;
	s2 =	sadd.s32 s2, s4;
	[dreg:$0x0] =	wrdreg $0x0  }
0xa8: {  	s4 =	sshll.u32 s28, $0x1;
	[dreg:$0x2] =	wrdreg s2  }
0xa9: {  	[dreg:$0x3] =	wrdreg s4  }
0xaa: {  	[dreg:$0x4] =	wrdreg $0xC0  }
0xab: {  	_ =	task [dreg:s6], $0x5FFFF  }
0xac: {  	[dreg:$0x1] =	wrdreg $0xFFFFFFFF  }
0xad: {  	[dreg:$0x0] =	wrdreg $0x60  }
0xae: {  	[dreg:$0x2] =	wrdreg s24  }
0xaf: {  	[dreg:$0x3] =	wrdreg $0x66000  }
0xb0: {  	[dreg:$0x4] =	wrdreg $0x9  }
0xb1: {  	_ =	task.clear_ibuf [dreg:s6], $0x5FFFF;
	_ =	strace $0x90000049  }
0xb2: {  	s29 =	simm.s32 $0x9;
	_ =	strace $0x8000004B  }
0xb3: {  	_ =	swait.ge [sflag:s29], $0x1  }
0xb4: {  	[sflag:s29] =	ssyncadd.s32 $0xFFFFFFFF  }
0xb5: {  	_ =	strace $0x9000004B  }
0xb6: {  	_ =	sfence  }
0xb7: {  	s30 =	sld [smem:$0x0];
	_ =	sdelay $0x2  }
0xb8: {  	s31 =	sshll.u32 s1, $0xD;
	s1 =	sshrl.u32 s1, $0x2  }
0xb9: {  	s3 =	sand.u32 $0x4000, s31;
	s1 =	sadd.s32 s1, s30  }
0xba: {  	s0 =	sor.u32 s3, s0;
	s1 =	sshll.u32 s1, $0x11  }
0xbb: {  	s0 =	sor.u32 s1, s0  }
0xbc: {  	s0 =	sadd.s32 $0x8F2B, s0  }
0xbd: {  	[sflag:s0] =	ssyncadd.remote.s32 $0x1  }
0xbe: {  	_ =	sfence.sel $0xFFFF  }
0xbf: {  	[dreg:$0x0] =	wrdreg $0xFFFFFFFF;
	(pc) =	sbr.abs _section_cstart, $3  }
0xc0: {  	[dreg:$0x1] =	wrdreg $0xFFFFFFFF  }
0xc1: {  	_ =	task.clear_ibuf [dreg:s6], $0x2FFFF;
	_ =	strace $0x9FFFFFFF  }
0xc2: {  	(tm) =	ssettm $0x7FFFFFFF  }
0xc3: {  	_ =	shalt  }
tec
execute0_lowered:
.L_overlay_start_1:
0x0: {  	(tag) =	ssettag $0x1  }
0x1: {  	s6 =	rddreg [dreg:$0x0]  }
0x2: {  	s2 =	rddreg [dreg:$0x1]  }
0x3: {  	s0 =	srdreg.scid;
	s1 =	rddreg [dreg:$0x2]  }
0x4: {  	s3 =	simm.s32 $0x0;
	s13 =	simm.s32 $0x100;
	s5 =	sand.u32 $0x1, s0  }
0x5: {  	s14 =	simm.s32 $0xC8;
	s0 =	stileid.u32;
	s4 =	smul.u32 $0x27100, s5  }
0x6: {  	s15 =	simm.s32 $0x200;
	s16 =	simm.s32 $0x1;
	s7 =	smul.u32 $0x2710, s0  }
0x7: {  	s17 =	simm.s32 $0x0;
	[smem:$0x7FF] =	sst s3;
	s28 =	smul.u32 $0x2800, s0  }
0x8: {  	_ =	strace $0x8000004A;
	s8 =	smul.u32 $0x28000, s5;
	s5 =	ssub.s32 $0x2, s5  }
0x9: {  	s9 =	smul.u32 $0x50000, s0;
	s31 =	sshll.u32 s0, $0x6;
	s29 =	sshrl.u32 s5, $0x1  }
0xa: {  	s4 =	sadd.s32 s7, s4;
	s11 =	sadd.s32 s28, s6;
	s7 =	sadd.s32 s28, s8  }
0xb: {  	s8 =	ssub.s32 s5, s29;
	s30 =	sshrl.u32 s9, $0x2;
	s4 =	sshrl.u32 s4, $0x3  }
0xc: {  	s7 =	sadd.s32 s7, s6;
	s12 =	sadd.s32 s30, s2;
	s5 =	sadd.s32 $0x63600, s11  }
0xd: {  	s8 =	smax.u32 s8, $0x1;
	s10 =	sadd.s32 s4, s6;
	s4 =	sadd.s32 $0x15200, s6  }
0xe: {  	s6 =	sor.u32 $0x1C02, s31;
	s7 =	sadd.s32 $0x8B600, s7;
	s11 =	sshrl.u32 s12, $0x3  }
0xf: {  	s12 =	simm.s32 $0x2;
	s9 =	sadd.s32 $0x1000, s10;
	s10 =	sadd.s32 $0xAE00, s10  }
.LBB2_1:
0x10: {  	[spmem:s11], [sflag:s6] =	dma.local [hbm:s5], $0x2800  }
0x11: {  	_ =	swait.ge [sflag:s12], $0x2800  }
0x12: {  	[sflag:s12] =	ssyncset.done $0x0  }
0x13: {  	[sflag:s12] =	ssyncadd.s32 $0xFFFFD800  }
0x14: {  	s18 =	sadd.s32 $0x0, s10;
	[bflag:$0x0] =	sbarrier.arrive $0xFFFF  }
0x15: {  	[tilespmem:s3], [sflag:$0x2] =	stream.linear.gather [hbm4b:s18+s3], $0xC8, $0x38;
	[tilespmem:$0x1A600] =	vst v63  }
0x16: {  	_ =	swait.ge [sflag:s12], $0xC8  }
0x17: {  	[sflag:s12] =	ssyncset.done $0x0  }
0x18: {  	s31 =	sadd.s32 $0x0, s9;
	[sflag:s12] =	ssyncadd.s32 $0xFFFFFF38  }
0x19: {  	[tilespmem:s13], [sflag:$0x2] =	stream.linear.gather [hbm4b:s31+s3], $0xC8, $0x38;
	[tilespmem:$0x1A600] =	vst v63  }
0x1a: {  	_ =	swait.ge [sflag:s12], $0xC8  }
0x1b: {  	[sflag:s12] =	ssyncset.done $0x0  }
0x1c: {  	[sflag:s12] =	ssyncadd.s32 $0xFFFFFF38  }
0x1d: {  	[tilespmem:s15], [sflag:$0x1] =	stream.indirect.gather [hbm4b:s4+s14], $0x80, s3, s14, $0xb8;
	[tilespmem:$0x1A600] =	vst v63  }
0x1e: {  	_ =	swait.ge [sflag:s16], $0x6400  }
0x1f: {  	[sflag:s16] =	ssyncset.done $0x0  }
0x20: {  	[sflag:s16] =	ssyncadd.s32 $0xFFFF9C00  }
0x21: {  	[spmem:s2] =	stream.indirect.scatter.add.f32 [tilespmem:s15], [sflag:$0x2], $0x80, s13, s14, $0xb8;
	[tilespmem:$0x1A600] =	vst v63  }
0x22: {  	_ =	swait.ge [sflag:s12], $0x6400  }
0x23: {  	s19 =	simm.s32 $0x32;
	s18 =	simm.s32 $0x19;
	[sflag:s12] =	ssyncset.done $0x0  }
.LBB2_2:
0x24: {  	s20 =	sadd.s32 s18, s10  }
0x25: {  	[sflag:s12] =	ssyncadd.s32 $0xFFFF9C00;
	s21 =	smov.u32 s19;
	s22 =	sadd.s32 $0x19, s19  }
0x26: {  	[tilespmem:s3], [sflag:$0x2] =	stream.linear.gather [hbm4b:s20+s3], $0xC8, $0x38;
	[tilespmem:$0x1A600] =	vst v63  }
0x27: {  	p0 =	sne.s32 s19, $0x4C9;
	_ =	swait.ge [sflag:s12], $0xC8  }
0x28: {  	[sflag:s12] =	ssyncset.done $0x0  }
0x29: {  	s19 =	sadd.s32 s18, s9;
	s18 =	smov.u32 s21;
	[sflag:s12] =	ssyncadd.s32 $0xFFFFFF38  }
0x2a: {  	[tilespmem:s13], [sflag:$0x2] =	stream.linear.gather [hbm4b:s19+s3], $0xC8, $0x38;
	[tilespmem:$0x1A600] =	vst v63  }
0x2b: {  	_ =	swait.ge [sflag:s12], $0xC8  }
0x2c: {  	[sflag:s12] =	ssyncset.done $0x0  }
0x2d: {  	[sflag:s12] =	ssyncadd.s32 $0xFFFFFF38  }
0x2e: {  	[tilespmem:s15], [sflag:$0x1] =	stream.indirect.gather [hbm4b:s4+s14], $0x80, s3, s14, $0xb8;
	[tilespmem:$0x1A600] =	vst v63  }
0x2f: {  	_ =	swait.ge [sflag:s16], $0x6400  }
.Ltmp0:
0x30: {  	[sflag:s16] =	ssyncset.done $0x0;
	(pc) =	sbr.rel @p0 .LBB2_2-.Ltmp0, $4  }
0x31: {  	[sflag:s16] =	ssyncadd.s32 $0xFFFF9C00  }
0x32: {  	[spmem:s2] =	stream.indirect.scatter.add.f32 [tilespmem:s15], [sflag:$0x2], $0x80, s13, s14, $0xb8;
	[tilespmem:$0x1A600] =	vst v63  }
0x33: {  	_ =	swait.ge [sflag:s12], $0x6400  }
0x34: {  	s19 =	smov.u32 s22;
	[sflag:s12] =	ssyncset.done $0x0  }
0x35: {  	s19 =	sadd.s32 s18, s10;
	[sflag:s12] =	ssyncadd.s32 $0xFFFF9C00  }
0x36: {  	[tilespmem:s3], [sflag:$0x2] =	stream.linear.gather [hbm4b:s19+s3], $0xC8, $0x38;
	[tilespmem:$0x1A600] =	vst v63  }
0x37: {  	_ =	swait.ge [sflag:s12], $0xC8  }
0x38: {  	[sflag:s12] =	ssyncset.done $0x0  }
0x39: {  	s31 =	sadd.s32 s18, s9;
	[sflag:s12] =	ssyncadd.s32 $0xFFFFFF38  }
0x3a: {  	[tilespmem:s13], [sflag:$0x2] =	stream.linear.gather [hbm4b:s31+s3], $0xC8, $0x38;
	[tilespmem:$0x1A600] =	vst v63  }
0x3b: {  	_ =	swait.ge [sflag:s12], $0xC8  }
0x3c: {  	[sflag:s12] =	ssyncset.done $0x0  }
0x3d: {  	[sflag:s12] =	ssyncadd.s32 $0xFFFFFF38  }
0x3e: {  	[tilespmem:s15], [sflag:$0x1] =	stream.indirect.gather [hbm4b:s4+s14], $0x80, s3, s14, $0xb8;
	[tilespmem:$0x1A600] =	vst v63  }
0x3f: {  	_ =	swait.ge [sflag:s16], $0x6400  }
0x40: {  	[sflag:s16] =	ssyncset.done $0x0  }
0x41: {  	[sflag:s16] =	ssyncadd.s32 $0xFFFF9C00  }
0x42: {  	[spmem:s2] =	stream.indirect.scatter.add.f32 [tilespmem:s15], [sflag:$0x2], $0x80, s13, s14, $0xb8;
	[tilespmem:$0x1A600] =	vst v63  }
0x43: {  	_ =	swait.ge [sflag:s12], $0x6400  }
0x44: {  	s17 =	sadd.s32 $0x1, s17;
	[sflag:s12] =	ssyncset.done $0x0  }
0x45: {  	p0 =	sne.s32 s17, s8;
	[sflag:s12] =	ssyncadd.s32 $0xFFFF9C00  }
.Ltmp1:
0x46: {  	[bflag:$0x0] =	sbarrier.arrive $0xFFFF;
	(pc) =	sbr.rel @p0 .LBB2_1-.Ltmp1, $4  }
0x47: {  	[hbm:s7], [sflag:s6] =	dma.local [spmem:s11], $0x2800  }
0x48: {  	_ =	swait.ge [sflag:s12], $0x2800  }
0x49: {  	[sflag:s12] =	ssyncset.done $0x0  }
0x4a: {  	[sflag:s12] =	ssyncadd.s32 $0xFFFFD800  }
0x4b: {  	_ =	sfence.sel $0x180000  }
0x4c: {  	[bflag:$0x0] =	sbarrier.arrive $0xFFFF  }
0x4d: {  	p0 =	sne.s32 s0, $0x0;
	_ =	strace $0x9000004A  }
0x4e: {  	s0 =	sadd.s32 @!p0 $0x100000, s1;
	[bflag:$0x2] =	sbarrier.arrive $0xFFFF  }
0x4f: {  	[sflag:s0] =	ssyncadd.tile.s32 @!p0 $0x1;
	_ =	shalt  }
.Lfunc_end2:
_tile_overlayer_lowered:
.L_overlay_start_2:
0x50: {  	(tag) =	ssettag $0x2  }
0x51: {  	s0 =	rddreg [dreg:$0x0];
	s2 =	stileid.u32  }
0x52: {  	s1 =	rddreg [dreg:$0x1];
	p0 =	sne.s32 s2, $0x0  }
0x53: {  	s3 =	rddreg [dreg:$0x2];
	[bflag:$0x3] =	sbarrier.arrive $0xFFFF;
	s2 =	simm.s32 @!p0 $0x1C02  }
0x54: {  	[timem:s3], [sflag:s2] =	dma.local @!p0 [hbm:s0], s1  }
0x55: {  	s0 =	simm.s32 @!p0 $0x2  }
0x56: {  	_ =	swait.ge @!p0 [sflag:s0], s1  }
0x57: {  	s1 =	ssub.s32 @!p0 $0x0, s1;
	[sflag:s0] =	ssyncset.done @!p0 $0x0  }
0x58: {  	[sflag:s0] =	ssyncadd.s32 @!p0 s1  }
0x59: {  	[bflag:$0x3] =	sbarrier.arrive $0xFFFF  }
0x5a: {  	_ =	shalt  }

// kernel: sc_gcn_scalar_agg.3.cloned.1.call-start
scs
__scs_entry_jumppad:
0x0: {  	(pc) =	sbr.rel $0x88, $3  }
0x1: {  	(tag) =	ssettag $0x0;
	lr =	simm.s32 $0x1  }
0x2: {  	[smem:$0x3F9B] =	sst lr;
	_ =	strace $0xD0000000  }
0x3: {  	_ = 	snop  }
0x4: {  	_ = 	snop  }
0x5: {  	_ = 	snop  }
0x6: {  	_ = 	snop  }
0x7: {  	_ = 	snop  }
__scs_overlays_trampoline_lowered:
0x8: {  	[smem:$0x3FAA] =	sst s0  }
0x9: {  	[smem:$0x3FAB] =	sst s1  }
0xa: {  	[smem:$0x3FAC] =	sst s2  }
0xb: {  	[smem:$0x3FAD] =	sst s3  }
0xc: {  	[smem:$0x3FAE] =	sst s4  }
0xd: {  	[smem:$0x3FAF] =	sst s5  }
0xe: {  	[smem:$0x3FB0] =	sst s6  }
0xf: {  	[smem:$0x3FB1] =	sst s7  }
0x10: {  	[smem:$0x3FB2] =	sst s8  }
0x11: {  	[smem:$0x3FB3] =	sst s9;
	s0 =	simm.s32 @!p0 $0x0  }
0x12: {  	s1 =	sld [smem:$0x3F99];
	s0 =	simm.s32 @p0 $0x1  }
0x13: {  	[smem:$0x3FB4] =	sst s0;
	s0 =	simm.s32 @!p1 $0x0  }
0x14: {  	s2 =	sld [smem:$0x3F98];
	s0 =	simm.s32 @p1 $0x1  }
0x15: {  	[smem:$0x3FB5] =	sst s0;
	s0 =	simm.s32 @!p2 $0x0  }
0x16: {  	s3 =	sld [smem:$0x3FDB];
	s0 =	simm.s32 @p2 $0x1  }
0x17: {  	s4 =	simm.s32 $0x1BF5;
	[smem:$0x3FB7] =	sst s0  }
0x18: {  	s0 =	sld [smem:$0x3F9A];
	_ =	swait.ge [sflag:s4], $0x0  }
0x19: {  	s7 =	sld [smem:$0x3F9B]  }
0x1a: {  	s8 =	sadd.s32 $0xFFFFE003, lr  }
0x1b: {  	s9 =	sadd.s32 $0xFFFFFEF7, lr;
	s5 =	simm.s32 $0xFFFFFFFF;
	p2 =	slt.u32 s8, $0xFFFFF086  }
0x1c: {  	p1 =	slt.u32 s9, $0xF7A;
	s5 =	simm.s32 @!p2 $0x0  }
0x1d: {  	s5 =	simm.s32 @p1 $0x1;
	p0 =	seq.s32 s7, s2  }
0x1e: {  	s7 =	smul.u32 @!p0 $0xF7A, s2;
	p2 =	seq.s32 @!p0 s5, $0x0  }
0x1f: {  	s9 =	smul.u32 $0xF7A, s1;
	s8 =	simm.s32 @!p0 $0x1BF5;
	p2 =	por !p2, p0  }
0x20: {  	[sflag:s8] =	ssyncset.s32 @!p0 $0xFFFFF086;
	s6 =	sadd.s32 @!p0 s3, s7;
	s7 =	simm.s32 @!p0 $0x108  }
0x21: {  	s3 =	sadd.s32 s3, s9;
	s6 =	sadd.s32 @!p0 $0x88, s6;
	s7 =	simm.s32 @p2 $0x1082  }
0x22: {  	[simem:s7], [sflag:s8] =	dma.local @!p0 [hbm:s6], $0xF7A  }
0x23: {  	s9 =	sor.u32 $0xD0000000, s2;
	s6 =	simm.s32 $0x108;
	_ =	swait.ge @!p0 [sflag:s8], $0x0  }
0x24: {  	s3 =	sadd.s32 $0x88, s3;
	s6 =	simm.s32 @!p1 $0x1082;
	[sflag:s4] =	ssyncset.s32 $0xFFFFF086  }
0x25: {  	[simem:s6], [sflag:s4] =	dma.local [hbm:s3], $0xF7A  }
0x26: {  	[smem:$0x3F9B] =	sst s1;
	(tag) =	ssettag s2;
	_ =	strace s9  }
0x27: {  	s1 =	sld [smem:$0x3FAB]  }
0x28: {  	s2 =	sld [smem:$0x3FAC]  }
0x29: {  	s4 =	sld [smem:$0x3FAE]  }
0x2a: {  	p0 =	seq.s32 s5, $0x0;
	s5 =	sld [smem:$0x3FAF]  }
0x2b: {  	s6 =	sld [smem:$0x3FB0]  }
0x2c: {  	s7 =	sld [smem:$0x3FB1]  }
0x2d: {  	s3 =	simm.s32 $0x108;
	s8 =	sld [smem:$0x3FB2]  }
0x2e: {  	s3 =	simm.s32 @!p0 $0x1082;
	s9 =	sld [smem:$0x3FB3]  }
0x2f: {  	lr =	sadd.s32 s0, s3;
	s0 =	sld [smem:$0x3FAA]  }
0x30: {  	s3 =	sld [smem:$0x3FAD]  }
0x31: {  	[smem:$0x3FB6] =	sst s10  }
0x32: {  	s10 =	sld [smem:$0x3FB4];
	_ =	sdelay $0x3  }
0x33: {  	p0 =	seq.s32 s10, $0x1;
	s10 =	sld [smem:$0x3FB6];
	_ =	sdelay $0x3  }
0x34: {  	[smem:$0x3FB6] =	sst s10  }
0x35: {  	s10 =	sld [smem:$0x3FB5];
	_ =	sdelay $0x3  }
0x36: {  	p1 =	seq.s32 s10, $0x1;
	s10 =	sld [smem:$0x3FB6];
	_ =	sdelay $0x3  }
0x37: {  	[smem:$0x3FB6] =	sst s10  }
0x38: {  	s10 =	sld [smem:$0x3FB7]  }
0x39: {  	_ = 	snop;
	(pc) =	sbr.ind lr, $3  }
0x3a: {  	_ = 	snop  }
0x3b: {  	_ = 	snop  }
0x3c: {  	p2 =	seq.s32 s10, $0x1;
	s10 =	sld [smem:$0x3FB6]  }
0x3d: {  	_ =	shalt  }
0x3e: {  	_ =	shalt  }
0x3f: {  	_ =	shalt  }
0x40: {  	_ =	shalt  }
0x41: {  	_ =	shalt  }
0x42: {  	_ =	shalt  }
0x43: {  	_ =	shalt  }
0x44: {  	_ =	shalt  }
0x45: {  	_ =	shalt  }
0x46: {  	_ =	shalt  }
0x47: {  	_ =	shalt  }
0x48: {  	_ =	shalt  }
0x49: {  	_ =	shalt  }
0x4a: {  	_ =	shalt  }
0x4b: {  	_ =	shalt  }
0x4c: {  	_ =	shalt  }
0x4d: {  	_ =	shalt  }
0x4e: {  	_ =	shalt  }
0x4f: {  	_ =	shalt  }
0x50: {  	_ =	shalt  }
0x51: {  	_ =	shalt  }
0x52: {  	_ =	shalt  }
0x53: {  	_ =	shalt  }
0x54: {  	_ =	shalt  }
0x55: {  	_ =	shalt  }
0x56: {  	_ =	shalt  }
0x57: {  	_ =	shalt  }
0x58: {  	_ =	shalt  }
0x59: {  	_ =	shalt  }
0x5a: {  	_ =	shalt  }
0x5b: {  	_ =	shalt  }
0x5c: {  	_ =	shalt  }
0x5d: {  	_ =	shalt  }
0x5e: {  	_ =	shalt  }
0x5f: {  	_ =	shalt  }
0x60: {  	_ =	shalt  }
0x61: {  	_ =	shalt  }
0x62: {  	_ =	shalt  }
0x63: {  	_ =	shalt  }
0x64: {  	_ =	shalt  }
0x65: {  	_ =	shalt  }
0x66: {  	_ =	shalt  }
0x67: {  	_ =	shalt  }
0x68: {  	_ =	shalt  }
0x69: {  	_ =	shalt  }
0x6a: {  	_ =	shalt  }
0x6b: {  	_ =	shalt  }
0x6c: {  	_ =	shalt  }
0x6d: {  	_ =	shalt  }
0x6e: {  	_ =	shalt  }
0x6f: {  	_ =	shalt  }
0x70: {  	_ =	shalt  }
0x71: {  	_ =	shalt  }
0x72: {  	_ =	shalt  }
0x73: {  	_ =	shalt  }
0x74: {  	_ =	shalt  }
0x75: {  	_ =	shalt  }
0x76: {  	_ =	shalt  }
0x77: {  	_ =	shalt  }
0x78: {  	_ =	shalt  }
0x79: {  	_ =	shalt  }
0x7a: {  	_ =	shalt  }
0x7b: {  	_ =	shalt  }
0x7c: {  	_ =	shalt  }
0x7d: {  	_ =	shalt  }
0x7e: {  	_ =	shalt  }
0x7f: {  	_ =	shalt  }
0x80: {  	_ =	shalt  }
0x81: {  	_ =	shalt  }
0x82: {  	_ =	shalt  }
0x83: {  	_ =	shalt  }
0x84: {  	_ =	shalt  }
0x85: {  	_ =	shalt  }
0x86: {  	_ =	shalt  }
0x87: {  	_ =	shalt  }
.Lfunc_end0:
.L_simem_size_0:
called_computation.2_lowered:
.L_overlay_start_0:
0x88: {  	s2 =	sld [smem:$0x3FD9]  }
0x89: {  	s3 =	sld [smem:$0x3FFE];
	_ =	sdelay $0x1  }
0x8a: {  	s1 =	srdreg.scid  }
0x8b: {  	s0 =	sand.u32 $0x1, s1  }
0x8c: {  	s17 =	sshll.u32 s0, $0xA;
	s2 =	sadd.s32 s3, s2  }
0x8d: {  	s2 =	sadd.s32 s2, s17  }
0x8e: {  	[smem:$0x3FC2] =	sst s2  }
0x8f: {  	_ = 	snop  }
0x90: {  	s2 =	sld [smem:$0x3FD0];
	(tm) =	ssettm $0x1  }
0x91: {  	s18 =	sld [smem:$0x3FFB];
	_ =	sdelay $0x3  }
0x92: {  	_ =	strace s18  }
0x93: {  	s3 =	sld [smem:$0x3FFC];
	_ =	sdelay $0x3  }
0x94: {  	_ =	strace s3  }
0x95: {  	s3 =	sld [smem:$0x3FFD];
	_ =	sdelay $0x3  }
0x96: {  	_ =	strace s3  }
0x97: {  	_ =	strace $0x8FFFFFFF  }
0x98: {  	s19 =	sld [smem:$0x3FDB];
	_ =	sdelay $0x1  }
0x99: {  	s4 =	simm.s32 $_scs_section_size  }
0x9a: {  	s5 =	simm.s32 $_size__tile_overlayer_lowered;
	s6 =	simm.s32 $_tile_overlayer_lowered  }
0x9b: {  	s22 =	simm.s32 $0x1BFF;
	s21 =	sshll.u32 s6, $0x1;
	s3 =	sadd.s32 s4, s19  }
0x9c: {  	s7 =	simm.s32 $0x0;
	s20 =	sshll.u32 s5, $0x1;
	s5 =	sadd.s32 s21, s3  }
0x9d: {  	[timem:s7], [sflag:s22] =	dma.local [hbm:s5], s20  }
0x9e: {  	_ =	swait.ge [sflag:s22], s20  }
0x9f: {  	s4 =	ssub.s32 $0x0, s20;
	[sflag:s22] =	ssyncset.done $0x0  }
0xa0: {  	[sflag:s22] =	ssyncadd.s32 s4;
	_ =	sdelay $0x1  }
0xa1: {  	s23 =	simm.s32 $0x1B8B  }
0xa2: {  	_ =	swait.ge [sflag:s23], $0x1  }
0xa3: {  	[sflag:s23] =	ssyncset.done $0x0  }
0xa4: {  	s25 =	simm.s32 $0x1B8E;
	s24 =	sld [smem:$0x3FFE];
	[sflag:s23] =	ssyncadd.s32 $0xFFFFFFFF  }
0xa5: {  	s26 =	simm.s32 $execute0_lowered;
	[smem:$0x3FD2] =	sst s25  }
0xa6: {  	s5 =	sshll.u32 s26, $0x1;
	_ =	strace $0x8000004C;
	[dreg:$0x1] =	wrdreg $0xFFFFFFFF  }
0xa7: {  	s28 =	simm.s32 $_size_execute0_lowered;
	s3 =	sadd.s32 s3, s5;
	[dreg:$0x0] =	wrdreg $0x0  }
0xa8: {  	s5 =	sshll.u32 s28, $0x1;
	[dreg:$0x2] =	wrdreg s3  }
0xa9: {  	[dreg:$0x3] =	wrdreg s5  }
0xaa: {  	[dreg:$0x4] =	wrdreg $0xC0  }
0xab: {  	_ =	task [dreg:s7], $0x5FFFF  }
0xac: {  	[dreg:$0x1] =	wrdreg $0xFFFFFFFF  }
0xad: {  	[dreg:$0x0] =	wrdreg $0x60  }
0xae: {  	[dreg:$0x2] =	wrdreg s24  }
0xaf: {  	[dreg:$0x3] =	wrdreg s2  }
0xb0: {  	[dreg:$0x4] =	wrdreg $0x20000  }
0xb1: {  	[dreg:$0x5] =	wrdreg $0x9  }
0xb2: {  	_ =	task.clear_ibuf [dreg:s7], $0x6FFFF;
	_ =	strace $0x9000004C  }
0xb3: {  	s29 =	simm.s32 $0x9;
	_ =	strace $0x8000004E  }
0xb4: {  	_ =	swait.ge [sflag:s29], $0x1  }
0xb5: {  	[sflag:s29] =	ssyncadd.s32 $0xFFFFFFFF  }
0xb6: {  	_ =	strace $0x9000004E  }
0xb7: {  	_ =	sfence  }
0xb8: {  	s30 =	sld [smem:$0x0];
	_ =	sdelay $0x2  }
0xb9: {  	s31 =	sshll.u32 s1, $0xD;
	s1 =	sshrl.u32 s1, $0x2  }
0xba: {  	s3 =	sand.u32 $0x4000, s31;
	s1 =	sadd.s32 s1, s30  }
0xbb: {  	s0 =	sor.u32 s3, s0;
	s1 =	sshll.u32 s1, $0x11  }
0xbc: {  	s0 =	sor.u32 s1, s0  }
0xbd: {  	s0 =	sadd.s32 $0x8F2B, s0  }
0xbe: {  	[sflag:s0] =	ssyncadd.remote.s32 $0x1  }
0xbf: {  	_ =	sfence.sel $0xFFFF  }
0xc0: {  	[dreg:$0x0] =	wrdreg $0xFFFFFFFF;
	(pc) =	sbr.abs _section_cstart, $3  }
0xc1: {  	[dreg:$0x1] =	wrdreg $0xFFFFFFFF  }
0xc2: {  	_ =	task.clear_ibuf [dreg:s7], $0x2FFFF;
	_ =	strace $0x9FFFFFFF  }
0xc3: {  	(tm) =	ssettm $0x7FFFFFFF  }
tec
execute0_lowered:
.L_overlay_start_1:
0x0: {  	(tag) =	ssettag $0x1  }
0x1: {  	s1 =	srdreg.scid  }
0x2: {  	s1 =	sand.u32 $0x1, s1  }
0x3: {  	p0 =	seq.s32 s1, $0x1  }
.Ltmp0:
0x4: {  	s7 =	rddreg [dreg:$0x0];
	(pc) =	sbr.rel @p0 .LBB2_6-.Ltmp0, $4  }
0x5: {  	s2 =	rddreg [dreg:$0x1]  }
0x6: {  	s3 =	rddreg [dreg:$0x2];
	s4 =	simm.s32 $0x0  }
0x7: {  	[smem:$0x7FF] =	sst s4  }
0x8: {  	s0 =	rddreg [dreg:$0x3];
	_ =	strace $0x8000004D;
	s1 =	stileid.u32  }
0x9: {  	s5 =	smul.u32 $0x280, s1  }
0xa: {  	s6 =	sadd.s32 $0x14C00, s7  }
0xb: {  	s8 =	sshll.u32 s1, $0x6;
	s17 =	sshrl.u32 s5, $0x3;
	s5 =	sadd.s32 s5, s3  }
0xc: {  	s8 =	sor.u32 $0x1C02, s8;
	s6 =	sadd.s32 s6, s17;
	s9 =	sshrl.u32 s5, $0x3  }
0xd: {  	[spmem:s9], [sflag:s8] =	dma.local [hbm:s6], $0x50  }
0xe: {  	s6 =	simm.s32 $0x2  }
0xf: {  	s28 =	smul.u32 $0x9C4, s1;
	_ =	swait.ge [sflag:s6], $0x50  }
0x10: {  	s29 =	sadd.s32 $0xAE00, s7;
	[sflag:s6] =	ssyncset.done $0x0  }
0x11: {  	s13 =	sadd.s32 s28, s29;
	[sflag:s6] =	ssyncadd.s32 $0xFFFFFFB0  }
0x12: {  	s9 =	sadd.s32 $0x0, s13;
	[bflag:$0x0] =	sbarrier.arrive $0xFFFF  }
0x13: {  	[tilespmem:s4], [sflag:$0x2] =	stream.linear.gather [hbm4b:s9+s4], $0x7D0, $0x38;
	[tilespmem:$0x2280] =	vst v63  }
0x14: {  	s30 =	sadd.s32 $0x1000, s7;
	_ =	swait.ge [sflag:s6], $0x7D0  }
0x15: {  	s12 =	sadd.s32 s28, s30;
	[sflag:s6] =	ssyncset.done $0x0  }
0x16: {  	s8 =	simm.s32 $0x800;
	s9 =	sadd.s32 $0x0, s12;
	[sflag:s6] =	ssyncadd.s32 $0xFFFFF830  }
0x17: {  	[tilespmem:s8], [sflag:$0x2] =	stream.linear.gather [hbm4b:s9+s4], $0x7D0, $0x38;
	[tilespmem:$0x2280] =	vst v63  }
0x18: {  	_ =	swait.ge [sflag:s6], $0x7D0  }
0x19: {  	s15 =	sadd.s32 $0x15200, s7;
	s11 =	simm.s32 $0x7D0;
	[sflag:s6] =	ssyncset.done $0x0  }
0x1a: {  	s14 =	simm.s32 $0x1000;
	s16 =	simm.s32 $0x1;
	[sflag:s6] =	ssyncadd.s32 $0xFFFFF830  }
0x1b: {  	[tilespmem:s14], [sflag:$0x1] =	stream.indirect.gather [hbm4b:s15+s11], $0x1, s4, s11, $0xb8;
	[tilespmem:$0x2280] =	vst v63  }
0x1c: {  	_ =	swait.ge [sflag:s16], $0x7D0  }
0x1d: {  	s18 =	simm.s32 $0x1F4;
	[sflag:s16] =	ssyncset.done $0x0  }
0x1e: {  	s31 =	sadd.s32 s17, s7;
	s7 =	sadd.s32 $0x15800, s7;
	[sflag:s16] =	ssyncadd.s32 $0xFFFFF830  }
0x1f: {  	[spmem:s3] =	stream.indirect.scatter.add.f32 [tilespmem:s14], [sflag:$0x2], $0x1, s8, s11, $0xb8;
	[tilespmem:$0x2280] =	vst v63  }
0x20: {  	s10 =	sadd.s32 s15, s17;
	s2 =	sadd.s32 s2, s17;
	_ =	swait.ge [sflag:s6], $0x7D0  }
0x21: {  	s17 =	simm.s32 $0xFA;
	s9 =	sadd.s32 $0xDB600, s31;
	[sflag:s6] =	ssyncset.done $0x0  }
.LBB2_2:
0x22: {  	s19 =	sadd.s32 s17, s13  }
0x23: {  	[sflag:s6] =	ssyncadd.s32 $0xFFFFF830;
	s20 =	smov.u32 s18;
	s21 =	sadd.s32 $0xFA, s18  }
0x24: {  	[tilespmem:s4], [sflag:$0x2] =	stream.linear.gather [hbm4b:s19+s4], $0x7D0, $0x38;
	[tilespmem:$0x2280] =	vst v63  }
0x25: {  	p0 =	sne.s32 s18, $0x8CA;
	_ =	swait.ge [sflag:s6], $0x7D0  }
0x26: {  	[sflag:s6] =	ssyncset.done $0x0  }
0x27: {  	s18 =	sadd.s32 s17, s12;
	s17 =	smov.u32 s20;
	[sflag:s6] =	ssyncadd.s32 $0xFFFFF830  }
0x28: {  	[tilespmem:s8], [sflag:$0x2] =	stream.linear.gather [hbm4b:s18+s4], $0x7D0, $0x38;
	[tilespmem:$0x2280] =	vst v63  }
0x29: {  	_ =	swait.ge [sflag:s6], $0x7D0  }
0x2a: {  	[sflag:s6] =	ssyncset.done $0x0  }
0x2b: {  	[sflag:s6] =	ssyncadd.s32 $0xFFFFF830  }
0x2c: {  	[tilespmem:s14], [sflag:$0x1] =	stream.indirect.gather [hbm4b:s15+s11], $0x1, s4, s11, $0xb8;
	[tilespmem:$0x2280] =	vst v63  }
0x2d: {  	_ =	swait.ge [sflag:s16], $0x7D0  }
.Ltmp1:
0x2e: {  	[sflag:s16] =	ssyncset.done $0x0;
	(pc) =	sbr.rel @p0 .LBB2_2-.Ltmp1, $4  }
0x2f: {  	[sflag:s16] =	ssyncadd.s32 $0xFFFFF830  }
0x30: {  	[spmem:s3] =	stream.indirect.scatter.add.f32 [tilespmem:s14], [sflag:$0x2], $0x1, s8, s11, $0xb8;
	[tilespmem:$0x2280] =	vst v63  }
0x31: {  	_ =	swait.ge [sflag:s6], $0x7D0  }
0x32: {  	s18 =	smov.u32 s21;
	[sflag:s6] =	ssyncset.done $0x0  }
0x33: {  	s13 =	sadd.s32 s17, s13;
	[sflag:s6] =	ssyncadd.s32 $0xFFFFF830  }
0x34: {  	[tilespmem:s4], [sflag:$0x2] =	stream.linear.gather [hbm4b:s13+s4], $0x7D0, $0x38;
	[tilespmem:$0x2280] =	vst v63  }
0x35: {  	_ =	swait.ge [sflag:s6], $0x7D0  }
0x36: {  	[sflag:s6] =	ssyncset.done $0x0  }
0x37: {  	s12 =	sadd.s32 s17, s12;
	[sflag:s6] =	ssyncadd.s32 $0xFFFFF830  }
0x38: {  	[tilespmem:s8], [sflag:$0x2] =	stream.linear.gather [hbm4b:s12+s4], $0x7D0, $0x38;
	[tilespmem:$0x2280] =	vst v63  }
0x39: {  	_ =	swait.ge [sflag:s6], $0x7D0  }
0x3a: {  	[sflag:s6] =	ssyncset.done $0x0  }
0x3b: {  	[sflag:s6] =	ssyncadd.s32 $0xFFFFF830  }
0x3c: {  	[tilespmem:s14], [sflag:$0x1] =	stream.indirect.gather [hbm4b:s15+s11], $0x1, s4, s11, $0xb8;
	[tilespmem:$0x2280] =	vst v63  }
0x3d: {  	_ =	swait.ge [sflag:s16], $0x7D0  }
0x3e: {  	[sflag:s16] =	ssyncset.done $0x0  }
0x3f: {  	[sflag:s16] =	ssyncadd.s32 $0xFFFFF830  }
0x40: {  	[spmem:s3] =	stream.indirect.scatter.add.f32 [tilespmem:s14], [sflag:$0x2], $0x1, s8, s11, $0xb8;
	[tilespmem:$0x2280] =	vst v63  }
0x41: {  	_ =	swait.ge [sflag:s6], $0x7D0  }
0x42: {  	[sflag:s6] =	ssyncset.done $0x0  }
0x43: {  	[sflag:s6] =	ssyncadd.s32 $0xFFFFF830  }
0x44: {  	s25 =	simm.s32 $0x1D00;
	s26 =	simm.s32 $0x2;
	[bflag:$0x0] =	sbarrier.arrive $0xFFFF  }
0x45: {  	[tilespmem:s25], [sflag:$0x2] =	stream.linear.gather [spmem:s5], $0x280, $0x38;
	[tilespmem:$0x2280] =	vst v63  }
0x46: {  	_ =	swait.ge [sflag:s26], $0x280  }
0x47: {  	[sflag:s26] =	ssyncset.done $0x0  }
0x48: {  	s28 =	simm.s32 $0x0;
	s29 =	simm.s32 $0x1800;
	[sflag:s26] =	ssyncadd.s32 $0xFFFFFD80  }
0x49: {  	[tilespmem:s29], [sflag:$0x2] =	stream.linear.gather [hbm4b:s10+s28], $0x280, $0x38;
	[tilespmem:$0x2280] =	vst v63  }
0x4a: {  	_ =	swait.ge [sflag:s26], $0x280  }
0x4b: {  	[sflag:s26] =	ssyncset.done $0x0  }
0x4c: {  	s30 =	simm.s32 $0x1A80;
	[sflag:s26] =	ssyncadd.s32 $0xFFFFFD80  }
0x4d: {  	[tilespmem:s30], [sflag:$0x2] =	stream.linear.gather [hbm4b:s9+s28], $0x280, $0x38;
	[tilespmem:$0x2280] =	vst v63  }
0x4e: {  	_ =	swait.ge [sflag:s26], $0x280  }
0x4f: {  	[sflag:s26] =	ssyncset.done $0x0  }
0x50: {  	s31 =	simm.s32 $0x1F80;
	[sflag:s26] =	ssyncadd.s32 $0xFFFFFD80  }
0x51: {  	[tilespmem:s31], [sflag:$0x2] =	stream.linear.gather [hbm4b:s7+s28], $0x80, $0x38;
	[tilespmem:$0x2280] =	vst v63  }
0x52: {  	_ =	swait.ge [sflag:s26], $0x80  }
0x53: {  	[sflag:s26] =	ssyncset.done $0x0  }
0x54: {  	s3 =	simm.s32 $0x0;
	[sflag:s26] =	ssyncadd.s32 $0xFFFFFF80  }
0x55: {  	s4 =	simm.s32 $0x40;
	v0 =	vld [tilespmem:s3+$0x1800]  }
.LBB2_4:
0x56: {  	p0 =	sne.s32 s4, $0x9C0;
	v1 =	vld [tilespmem:s3+$0x1D00];
	_ =	sdelay $0x1  }
0x57: {  	v2 =	vld [tilespmem:s3+$0x1A80];
	_ =	sdelay $0x1  }
0x58: {  	v3 =	vld [tilespmem:$0x1F80]  }
0x59: {  	v0 =	vadd.f32 v0, v1;
	_ =	sdelay $0x1  }
.Ltmp2:
0x5a: {  	v0 =	vmul.f32 v2, v0;
	(pc) =	sbr.rel @p0 .LBB2_4-.Ltmp2, $4  }
0x5b: {  	_ = 	snop  }
0x5c: {  	v1 =	vadd.f32 v3, v0  }
0x5d: {  	s5 =	sshra.s32 s4, $0x2  }
0x5e: {  	s4 =	sadd.s32 $0x40, s4;
	v0 =	vld [tilespmem:s5+$0x1800];
	[tilespmem:s3+$0x1D00] =	vst v1;
	s3 =	smov.u32 s5  }
0x5f: {  	v1 =	vld [tilespmem:s3+$0x1D00];
	_ =	sdelay $0x1  }
0x60: {  	v2 =	vld [tilespmem:s3+$0x1A80];
	_ =	sdelay $0x1  }
0x61: {  	v3 =	vld [tilespmem:$0x1F80]  }
0x62: {  	v0 =	vadd.f32 v0, v1;
	_ =	sdelay $0x1  }
0x63: {  	v0 =	vmul.f32 v2, v0;
	_ =	sdelay $0x1  }
0x64: {  	v0 =	vadd.f32 v3, v0;
	_ =	sdelay $0x1  }
0x65: {  	s30 =	simm.s32 $0x0;
	s4 =	simm.s32 $0x1D00;
	s31 =	simm.s32 $0x2;
	[tilespmem:s3+$0x1D00] =	vst v0  }
0x66: {  	[hbm4b:s2+s30] =	stream.linear.scatter [tilespmem:s4], [sflag:$0x2], $0x280, $0x38;
	[tilespmem:$0x2280] =	vst v63  }
0x67: {  	_ =	swait.ge [sflag:s31], $0x280  }
0x68: {  	[sflag:s31] =	ssyncset.done $0x0  }
0x69: {  	[sflag:s31] =	ssyncadd.s32 $0xFFFFFD80  }
.LBB2_6:
0x6a: {  	_ =	sfence.sel $0x180000  }
0x6b: {  	[bflag:$0x0] =	sbarrier.arrive $0xFFFF  }
0x6c: {  	p0 =	sne.s32 s1, $0x0;
	_ =	strace $0x9000004D  }
0x6d: {  	s0 =	sadd.s32 @!p0 $0x100000, s0;
	[bflag:$0x2] =	sbarrier.arrive $0xFFFF  }
0x6e: {  	[sflag:s0] =	ssyncadd.tile.s32 @!p0 $0x1;
	_ =	shalt  }
.Lfunc_end2:
_tile_overlayer_lowered:
.L_overlay_start_2:
0x6f: {  	(tag) =	ssettag $0x2  }
0x70: {  	s0 =	rddreg [dreg:$0x0];
	s2 =	stileid.u32  }
0x71: {  	s1 =	rddreg [dreg:$0x1];
	p0 =	sne.s32 s2, $0x0  }
0x72: {  	s3 =	rddreg [dreg:$0x2];
	[bflag:$0x3] =	sbarrier.arrive $0xFFFF;
	s2 =	simm.s32 @!p0 $0x1C02  }
0x73: {  	[timem:s3], [sflag:s2] =	dma.local @!p0 [hbm:s0], s1  }
0x74: {  	s0 =	simm.s32 @!p0 $0x2  }
0x75: {  	_ =	swait.ge @!p0 [sflag:s0], s1  }
0x76: {  	s1 =	ssub.s32 @!p0 $0x0, s1;
	[sflag:s0] =	ssyncset.done @!p0 $0x0  }
0x77: {  	[sflag:s0] =	ssyncadd.s32 @!p0 s1  }
0x78: {  	[bflag:$0x3] =	sbarrier.arrive $0xFFFF  }
0x79: {  	_ =	shalt  }

</sc_bundles>
